<compile_context>
chip_gen: v7x
topology: tpu7x:2x2x1
jax: 0.10.2.dev20260603
libtpu: 0.0.44.dev20260713+nightly
codegen_flags: <defaults>
</compile_context>

<pallas_src>
import functools

import jax
import jax.numpy as jnp
from jax import lax
from jax.experimental import pallas as pl
from jax.experimental.pallas import tpu as pltpu
from jax.experimental.pallas import tpu_sc as plsc

D = 128
PMAX = 512
N = 4096 * 200
CHUNK = 128
NSTREAM = 2
H = CHUNK // NSTREAM

_info = plsc.get_sparse_core_info()
_NC, _NS, _L = _info.num_cores, _info.num_subcores, _info.num_lanes
NW = _NC * _NS
PER_W = N // NW
NCHUNK = PER_W // CHUNK

_mesh = plsc.VectorSubcoreMesh(core_axis_name="c", subcore_axis_name="s")


@functools.partial(
    pl.kernel,
    mesh=_mesh,
    out_type=jax.ShapeDtypeStruct((N, D), jnp.float32),
    scratch_types=[
        pltpu.VMEM_SHARED((PMAX, D), jnp.float32),
        pltpu.VMEM((PER_W,), jnp.int32),
        pltpu.VMEM((PER_W,), jnp.int32),
        pltpu.VMEM((2, CHUNK, D), jnp.float32),
        pltpu.VMEM((2, CHUNK, D), jnp.float32),
        pltpu.SemaphoreType.DMA,
        pltpu.SemaphoreType.DMA,
        pltpu.SemaphoreType.DMA,
        pltpu.SemaphoreType.DMA,
        pltpu.SemaphoreType.DMA,
        pltpu.SemaphoreType.DMA,
        pltpu.SemaphoreType.DMA,
        pltpu.SemaphoreType.DMA,
    ],
)
def _emb(x_hbm, xpos_hbm, wtab_hbm, ptab_hbm, out_hbm,
         ptab_sh, widx_v, pidx_v, rows_v, prows_v,
         sem_w00, sem_w01, sem_w10, sem_w11,
         sem_p0, sem_p1, sem_o0, sem_o1):
    wid = lax.axis_index("s") * _NC + lax.axis_index("c")
    base = wid * PER_W
    sem_w = ((sem_w00, sem_w01), (sem_w10, sem_w11))
    sem_p = (sem_p0, sem_p1)
    sem_o = (sem_o0, sem_o1)

    @pl.when(lax.axis_index("s") == 0)
    def _():
        pltpu.sync_copy(ptab_hbm, ptab_sh)

    pltpu.sync_copy(x_hbm.at[pl.ds(base, PER_W)], widx_v)
    pltpu.sync_copy(xpos_hbm.at[pl.ds(base, PER_W)], pidx_v)
    plsc.subcore_barrier()

    def fire(k, b):
        pltpu.async_copy(
            ptab_sh.at[pidx_v.at[pl.ds(k * CHUNK, CHUNK)]],
            prows_v.at[b], sem_p[b])
        for q in range(NSTREAM):
            pltpu.async_copy(
                wtab_hbm.at[widx_v.at[pl.ds(k * CHUNK + q * H, H)]],
                rows_v.at[b].at[pl.ds(q * H, H)], sem_w[b][q])

    def wait_gathers(k, b):
        for q in range(NSTREAM):
            pltpu.make_async_copy(
                wtab_hbm.at[widx_v.at[pl.ds(k * CHUNK + q * H, H)]],
                rows_v.at[b].at[pl.ds(q * H, H)], sem_w[b][q]).wait()
        pltpu.make_async_copy(
            ptab_sh.at[pidx_v.at[pl.ds(k * CHUNK, CHUNK)]],
            prows_v.at[b], sem_p[b]).wait()

    def wait_out(k, b):
        pltpu.make_async_copy(
            rows_v.at[b], out_hbm.at[pl.ds(base + k * CHUNK, CHUNK)],
            sem_o[b]).wait()

    fire(0, 0)

    def chunk_pair(kk, carry):
        for b in range(2):
            k = 2 * kk + b
            b1 = 1 - b
            wait_gathers(k, b)

            @pl.when(k >= 1)
            def _():
                wait_out(k - 1, b1)

            @pl.when(k + 1 < NCHUNK)
            def _():
                fire(k + 1, b1)

            def row_body(r, _, b=b):
                for j in range(D // _L):
                    w = rows_v.at[b][r, pl.ds(j * _L, _L)]
                    p = prows_v.at[b][r, pl.ds(j * _L, _L)]
                    rows_v.at[b][r, pl.ds(j * _L, _L)] = w + p
                return 0

            lax.fori_loop(0, CHUNK, row_body, 0)
            pltpu.async_copy(
                rows_v.at[b], out_hbm.at[pl.ds(base + k * CHUNK, CHUNK)],
                sem_o[b])
        return carry

    lax.fori_loop(0, NCHUNK // 2, chunk_pair, 0)
    wait_out(NCHUNK - 1, 1)


def kernel(x, x_pos, word_table, pos_table):
    xf = x.reshape(-1).astype(jnp.int32)
    pf = x_pos.reshape(-1).astype(jnp.int32)
    out = _emb(xf, pf, word_table, pos_table)
    return out.reshape(x.shape + (D,))

# --- scband reference (transcript-rebuilt; emitter-appended) ---
"""Pipeline reference for scband-dec-embedding-6476810682835 (READ-ONLY COPY).

The authoritative reference and input builder live on the scoring server;
editing this copy changes nothing except your own understanding.
"""

import jax, jax.numpy as jnp
import numpy as np

VOCAB_SIZE = 100000
EMB_DIM = 128
MAX_LEN = 512
BATCH = 4096
SEQ = 200


def position_encoding_init(max_len, emb_dim):
    pos = np.arange(max_len)[:, None].astype(np.float64)
    i = np.arange(emb_dim)[None, :].astype(np.float64)
    angle = pos / np.power(10000.0, 2.0 * (i // 2) / emb_dim)
    enc = np.zeros((max_len, emb_dim), dtype=np.float32)
    enc[:, 0::2] = np.sin(angle[:, 0::2])
    enc[:, 1::2] = np.cos(angle[:, 1::2])
    enc[0, :] = 0.0  # padding_idx=0
    return jnp.asarray(enc)


def setup_inputs(seed: int = 0) -> dict:
    key = jax.random.key(seed)
    k1, k2, k3 = jax.random.split(key, 3)
    x = jax.random.randint(k1, (BATCH, SEQ), 0, VOCAB_SIZE, dtype=jnp.int64 if jax.config.jax_enable_x64 else jnp.int32)
    x_pos = jax.random.randint(k2, (BATCH, SEQ), 0, MAX_LEN, dtype=jnp.int64 if jax.config.jax_enable_x64 else jnp.int32)
    word_table = jax.random.normal(k3, (VOCAB_SIZE, EMB_DIM), dtype=jnp.float32)
    word_table = word_table.at[3].set(0.0)  # padding_idx=3
    pos_table = position_encoding_init(MAX_LEN, EMB_DIM)
    return {"x": x, "x_pos": x_pos, "word_table": word_table, "pos_table": pos_table}


def reference(x, x_pos, word_table, pos_table):
    word_emb = jnp.take(word_table, x, axis=0)
    pos_enc = jnp.take(pos_table, x_pos, axis=0)
    return word_emb + pos_enc

if __name__ == "__main__":
    import jax
    _d = setup_inputs()
    print(jax.jit(kernel)(*tuple(_d.values())))

</pallas_src>

<mosaic_0001>
#map = affine_map<(d0, d1) -> (0)>
#map1 = affine_map<(d0, d1) -> (0, 0)>
module attributes {stable_mosaic.version = 14 : i64} {
  func.func @_emb(%arg0: i32, %arg1: i32, %arg2: memref<819200xi32, #tpu.memory_space<hbm>>, %arg3: memref<819200xi32, #tpu.memory_space<hbm>>, %arg4: memref<100000x128xf32, #tpu.memory_space<hbm>>, %arg5: memref<512x128xf32, #tpu.memory_space<hbm>>, %arg6: memref<819200x128xf32, #tpu.memory_space<hbm>>, %arg7: memref<512x128xf32, #tpu.memory_space<vmem_shared>>, %arg8: memref<25600xi32, #tpu.memory_space<vmem>>, %arg9: memref<25600xi32, #tpu.memory_space<vmem>>, %arg10: memref<2x128x128xf32, #tpu.memory_space<vmem>>, %arg11: memref<2x128x128xf32, #tpu.memory_space<vmem>>, %arg12: memref<!tpu.dma_semaphore, #tpu.memory_space<semaphore_mem>>, %arg13: memref<!tpu.dma_semaphore, #tpu.memory_space<semaphore_mem>>, %arg14: memref<!tpu.dma_semaphore, #tpu.memory_space<semaphore_mem>>, %arg15: memref<!tpu.dma_semaphore, #tpu.memory_space<semaphore_mem>>, %arg16: memref<!tpu.dma_semaphore, #tpu.memory_space<semaphore_mem>>, %arg17: memref<!tpu.dma_semaphore, #tpu.memory_space<semaphore_mem>>, %arg18: memref<!tpu.dma_semaphore, #tpu.memory_space<semaphore_mem>>, %arg19: memref<!tpu.dma_semaphore, #tpu.memory_space<semaphore_mem>>) attributes {dimension_semantics = [#tpu.dimension_semantics<core_parallel>, #tpu.dimension_semantics<subcore_parallel>], iteration_bounds = array<i64: 2, 16>, scalar_prefetch = 0 : i64, scratch_operands = 13 : i64, tpu.core_type = #tpu.core_type<sc_vector_subcore>, window_params = [{transform_indices = #map}, {transform_indices = #map}, {transform_indices = #map1}, {transform_indices = #map1}, {transform_indices = #map1}]} {
    %mul3A = arith.constant 2 : i32
    %mul3A_0 = arith.muli %arg1, %mul3A : i32
    %add3A = arith.addi %mul3A_0, %arg0 : i32
    %mul3A_1 = arith.constant 25600 : i32
    %mul3A_2 = arith.muli %add3A, %mul3A_1 : i32
    %eq3A = arith.constant 0 : i32
    %eq3A_3 = arith.cmpi eq, %arg1, %eq3A : i32
    %convert_element_type3A = arith.extui %eq3A_3 : i1 to i32
    %cond3A = arith.constant 0 : i32
    %cond3A_4 = arith.cmpi ne, %convert_element_type3A, %cond3A : i32
    scf.if %cond3A_4 {
      "tpu.region"() ({
        %run_scoped3A = tpu.sem_alloc : memref<!tpu.dma_semaphore, #tpu.memory_space<semaphore_mem>>
        tpu.enqueue_dma source(%arg5 : memref<512x128xf32, #tpu.memory_space<hbm>>) target(%arg7 : memref<512x128xf32, #tpu.memory_space<vmem_shared>>) target_semaphore(%run_scoped3A : memref<!tpu.dma_semaphore, #tpu.memory_space<semaphore_mem>>)
        tpu.wait_dma2 semaphore(%run_scoped3A : memref<!tpu.dma_semaphore, #tpu.memory_space<semaphore_mem>>) src(%arg5 : memref<512x128xf32, #tpu.memory_space<hbm>>) dst(%arg7 : memref<512x128xf32, #tpu.memory_space<vmem_shared>>)
        tpu.yield
      }) : () -> ()
    } else {
    }
    "tpu.region"() ({
      %run_scoped3A = tpu.sem_alloc : memref<!tpu.dma_semaphore, #tpu.memory_space<semaphore_mem>>
      %dma_start3A_59 = tpu.memref_slice %arg2[%mul3A_2] : memref<819200xi32, #tpu.memory_space<hbm>> -> memref<25600xi32, #tpu.memory_space<hbm>>
      %dma_start3A_60 = tpu.memref_slice %arg2[%mul3A_2] : memref<819200xi32, #tpu.memory_space<hbm>> -> memref<25600xi32, #tpu.memory_space<hbm>>
      tpu.enqueue_dma source(%dma_start3A_60 : memref<25600xi32, #tpu.memory_space<hbm>>) target(%arg8 : memref<25600xi32, #tpu.memory_space<vmem>>) target_semaphore(%run_scoped3A : memref<!tpu.dma_semaphore, #tpu.memory_space<semaphore_mem>>)
      %dma_wait3A_61 = tpu.memref_slice %arg2[%mul3A_2] : memref<819200xi32, #tpu.memory_space<hbm>> -> memref<25600xi32, #tpu.memory_space<hbm>>
      %dma_wait3A_62 = tpu.memref_slice %arg2[%mul3A_2] : memref<819200xi32, #tpu.memory_space<hbm>> -> memref<25600xi32, #tpu.memory_space<hbm>>
      tpu.wait_dma2 semaphore(%run_scoped3A : memref<!tpu.dma_semaphore, #tpu.memory_space<semaphore_mem>>) src(%dma_wait3A_62 : memref<25600xi32, #tpu.memory_space<hbm>>) dst(%arg8 : memref<25600xi32, #tpu.memory_space<vmem>>)
      tpu.yield
    }) : () -> ()
    "tpu.region"() ({
      %run_scoped3A = tpu.sem_alloc : memref<!tpu.dma_semaphore, #tpu.memory_space<semaphore_mem>>
      %dma_start3A_59 = tpu.memref_slice %arg3[%mul3A_2] : memref<819200xi32, #tpu.memory_space<hbm>> -> memref<25600xi32, #tpu.memory_space<hbm>>
      %dma_start3A_60 = tpu.memref_slice %arg3[%mul3A_2] : memref<819200xi32, #tpu.memory_space<hbm>> -> memref<25600xi32, #tpu.memory_space<hbm>>
      tpu.enqueue_dma source(%dma_start3A_60 : memref<25600xi32, #tpu.memory_space<hbm>>) target(%arg9 : memref<25600xi32, #tpu.memory_space<vmem>>) target_semaphore(%run_scoped3A : memref<!tpu.dma_semaphore, #tpu.memory_space<semaphore_mem>>)
      %dma_wait3A_61 = tpu.memref_slice %arg3[%mul3A_2] : memref<819200xi32, #tpu.memory_space<hbm>> -> memref<25600xi32, #tpu.memory_space<hbm>>
      %dma_wait3A_62 = tpu.memref_slice %arg3[%mul3A_2] : memref<819200xi32, #tpu.memory_space<hbm>> -> memref<25600xi32, #tpu.memory_space<hbm>>
      tpu.wait_dma2 semaphore(%run_scoped3A : memref<!tpu.dma_semaphore, #tpu.memory_space<semaphore_mem>>) src(%dma_wait3A_62 : memref<25600xi32, #tpu.memory_space<hbm>>) dst(%arg9 : memref<25600xi32, #tpu.memory_space<vmem>>)
      tpu.yield
    }) : () -> ()
    %barrier3A = arith.constant 0 : index
    tpu.barrier barrier_id(%barrier3A)
    %dma_start3A = arith.constant 0 : i32
    %dma_start3A_5 = arith.constant 0 : i32
    %dma_start3A_6 = arith.constant 0 : i32
    %dma_start3A_7 = tpu.memref_slice %arg11[%dma_start3A, %dma_start3A_5, %dma_start3A_6] : memref<2x128x128xf32, #tpu.memory_space<vmem>> -> memref<1x128x128xf32, #tpu.memory_space<vmem>>
    %dma_start3A_8 = tpu.memref_squeeze %dma_start3A_7 : memref<1x128x128xf32, #tpu.memory_space<vmem>> -> memref<128x128xf32, #tpu.memory_space<vmem>>
    %dma_start3A_9 = arith.constant 0 : i32
    %dma_start3A_10 = tpu.memref_slice %arg9[%dma_start3A_9] : memref<25600xi32, #tpu.memory_space<vmem>> -> memref<128xi32, #tpu.memory_space<vmem>>
    %dma_start3A_11 = arith.constant 0 : i32
    %dma_start3A_12 = arith.constant 0 : i32
    %dma_start3A_13 = tpu.memref_slice %arg7[%dma_start3A_11, %dma_start3A_12] : memref<512x128xf32, #tpu.memory_space<vmem_shared>> -> memref<512x128xf32, #tpu.memory_space<vmem_shared>>
    tpu.enqueue_indirect_dma source(%dma_start3A_13 : memref<512x128xf32, #tpu.memory_space<vmem_shared>>) target(%dma_start3A_8 : memref<128x128xf32, #tpu.memory_space<vmem>>) offsets(%dma_start3A_10 : memref<128xi32, #tpu.memory_space<vmem>>) semaphore(%arg16 : memref<!tpu.dma_semaphore, #tpu.memory_space<semaphore_mem>>)
    %dma_start3A_14 = arith.constant 0 : i32
    %dma_start3A_15 = arith.constant 0 : i32
    %dma_start3A_16 = arith.constant 0 : i32
    %dma_start3A_17 = tpu.memref_slice %arg10[%dma_start3A_14, %dma_start3A_15, %dma_start3A_16] : memref<2x128x128xf32, #tpu.memory_space<vmem>> -> memref<1x128x128xf32, #tpu.memory_space<vmem>>
    %dma_start3A_18 = tpu.memref_squeeze %dma_start3A_17 : memref<1x128x128xf32, #tpu.memory_space<vmem>> -> memref<128x128xf32, #tpu.memory_space<vmem>>
    %dma_start3A_19 = arith.constant 0 : i32
    %dma_start3A_20 = arith.constant 0 : i32
    %dma_start3A_21 = tpu.memref_slice %dma_start3A_18[%dma_start3A_19, %dma_start3A_20] : memref<128x128xf32, #tpu.memory_space<vmem>> -> memref<64x128xf32, #tpu.memory_space<vmem>>
    %dma_start3A_22 = arith.constant 0 : i32
    %dma_start3A_23 = tpu.memref_slice %arg8[%dma_start3A_22] : memref<25600xi32, #tpu.memory_space<vmem>> -> memref<64xi32, #tpu.memory_space<vmem>>
    %dma_start3A_24 = arith.constant 0 : i32
    %dma_start3A_25 = arith.constant 0 : i32
    %dma_start3A_26 = tpu.memref_slice %arg4[%dma_start3A_24, %dma_start3A_25] : memref<100000x128xf32, #tpu.memory_space<hbm>> -> memref<100000x128xf32, #tpu.memory_space<hbm>>
    tpu.enqueue_indirect_dma source(%dma_start3A_26 : memref<100000x128xf32, #tpu.memory_space<hbm>>) target(%dma_start3A_21 : memref<64x128xf32, #tpu.memory_space<vmem>>) offsets(%dma_start3A_23 : memref<64xi32, #tpu.memory_space<vmem>>) semaphore(%arg12 : memref<!tpu.dma_semaphore, #tpu.memory_space<semaphore_mem>>)
    %dma_start3A_27 = arith.constant 0 : i32
    %dma_start3A_28 = arith.constant 0 : i32
    %dma_start3A_29 = arith.constant 0 : i32
    %dma_start3A_30 = tpu.memref_slice %arg10[%dma_start3A_27, %dma_start3A_28, %dma_start3A_29] : memref<2x128x128xf32, #tpu.memory_space<vmem>> -> memref<1x128x128xf32, #tpu.memory_space<vmem>>
    %dma_start3A_31 = tpu.memref_squeeze %dma_start3A_30 : memref<1x128x128xf32, #tpu.memory_space<vmem>> -> memref<128x128xf32, #tpu.memory_space<vmem>>
    %dma_start3A_32 = arith.constant 64 : i32
    %dma_start3A_33 = arith.constant 0 : i32
    %dma_start3A_34 = tpu.memref_slice %dma_start3A_31[%dma_start3A_32, %dma_start3A_33] : memref<128x128xf32, #tpu.memory_space<vmem>> -> memref<64x128xf32, #tpu.memory_space<vmem>>
    %dma_start3A_35 = arith.constant 64 : i32
    %dma_start3A_36 = tpu.memref_slice %arg8[%dma_start3A_35] : memref<25600xi32, #tpu.memory_space<vmem>> -> memref<64xi32, #tpu.memory_space<vmem>>
    %dma_start3A_37 = arith.constant 0 : i32
    %dma_start3A_38 = arith.constant 0 : i32
    %dma_start3A_39 = tpu.memref_slice %arg4[%dma_start3A_37, %dma_start3A_38] : memref<100000x128xf32, #tpu.memory_space<hbm>> -> memref<100000x128xf32, #tpu.memory_space<hbm>>
    tpu.enqueue_indirect_dma source(%dma_start3A_39 : memref<100000x128xf32, #tpu.memory_space<hbm>>) target(%dma_start3A_34 : memref<64x128xf32, #tpu.memory_space<vmem>>) offsets(%dma_start3A_36 : memref<64xi32, #tpu.memory_space<vmem>>) semaphore(%arg13 : memref<!tpu.dma_semaphore, #tpu.memory_space<semaphore_mem>>)
    %scan3A = arith.constant 0 : i32
    %scan3A_40 = arith.constant 0 : i32
    %scan3A_41 = arith.constant 100 : i32
    %scan3A_42 = arith.addi %scan3A_40, %scan3A_41 : i32
    %scan3A_43 = arith.constant 1 : i32
    scf.for %scan3A_59 = %scan3A_40 to %scan3A_42 step %scan3A_43  : i32 {
      %mul3A_60 = arith.constant 2 : i32
      %mul3A_61 = arith.muli %mul3A_60, %scan3A_59 : i32
      %add3A_62 = arith.constant 0 : i32
      %add3A_63 = arith.addi %mul3A_61, %add3A_62 : i32
      %mul3A_64 = arith.constant 128 : i32
      %mul3A_65 = arith.muli %add3A_63, %mul3A_64 : i32
      %add3A_66 = arith.constant 0 : i32
      %add3A_67 = arith.addi %mul3A_65, %add3A_66 : i32
      %dma_wait3A_68 = arith.constant 0 : i32
      %dma_wait3A_69 = arith.constant 0 : i32
      %dma_wait3A_70 = arith.constant 0 : i32
      %dma_wait3A_71 = tpu.memref_slice %arg10[%dma_wait3A_68, %dma_wait3A_69, %dma_wait3A_70] : memref<2x128x128xf32, #tpu.memory_space<vmem>> -> memref<1x128x128xf32, #tpu.memory_space<vmem>>
      %dma_wait3A_72 = tpu.memref_squeeze %dma_wait3A_71 : memref<1x128x128xf32, #tpu.memory_space<vmem>> -> memref<128x128xf32, #tpu.memory_space<vmem>>
      %dma_wait3A_73 = arith.constant 0 : i32
      %dma_wait3A_74 = arith.constant 0 : i32
      %dma_wait3A_75 = tpu.memref_slice %dma_wait3A_72[%dma_wait3A_73, %dma_wait3A_74] : memref<128x128xf32, #tpu.memory_space<vmem>> -> memref<64x128xf32, #tpu.memory_space<vmem>>
      %dma_wait3A_76 = tpu.memref_slice %arg8[%add3A_67] : memref<25600xi32, #tpu.memory_space<vmem>> -> memref<64xi32, #tpu.memory_space<vmem>>
      %dma_wait3A_77 = arith.constant 0 : i32
      %dma_wait3A_78 = arith.constant 0 : i32
      %dma_wait3A_79 = tpu.memref_slice %arg4[%dma_wait3A_77, %dma_wait3A_78] : memref<100000x128xf32, #tpu.memory_space<hbm>> -> memref<100000x128xf32, #tpu.memory_space<hbm>>
      tpu.wait_indirect_dma semaphore(%arg12 : memref<!tpu.dma_semaphore, #tpu.memory_space<semaphore_mem>>) src(%dma_wait3A_79 : memref<100000x128xf32, #tpu.memory_space<hbm>>) dst(%dma_wait3A_75 : memref<64x128xf32, #tpu.memory_space<vmem>>)
      %mul3A_80 = arith.constant 128 : i32
      %mul3A_81 = arith.muli %add3A_63, %mul3A_80 : i32
      %add3A_82 = arith.constant 64 : i32
      %add3A_83 = arith.addi %mul3A_81, %add3A_82 : i32
      %dma_wait3A_84 = arith.constant 0 : i32
      %dma_wait3A_85 = arith.constant 0 : i32
      %dma_wait3A_86 = arith.constant 0 : i32
      %dma_wait3A_87 = tpu.memref_slice %arg10[%dma_wait3A_84, %dma_wait3A_85, %dma_wait3A_86] : memref<2x128x128xf32, #tpu.memory_space<vmem>> -> memref<1x128x128xf32, #tpu.memory_space<vmem>>
      %dma_wait3A_88 = tpu.memref_squeeze %dma_wait3A_87 : memref<1x128x128xf32, #tpu.memory_space<vmem>> -> memref<128x128xf32, #tpu.memory_space<vmem>>
      %dma_wait3A_89 = arith.constant 64 : i32
      %dma_wait3A_90 = arith.constant 0 : i32
      %dma_wait3A_91 = tpu.memref_slice %dma_wait3A_88[%dma_wait3A_89, %dma_wait3A_90] : memref<128x128xf32, #tpu.memory_space<vmem>> -> memref<64x128xf32, #tpu.memory_space<vmem>>
      %dma_wait3A_92 = tpu.memref_slice %arg8[%add3A_83] : memref<25600xi32, #tpu.memory_space<vmem>> -> memref<64xi32, #tpu.memory_space<vmem>>
      %dma_wait3A_93 = arith.constant 0 : i32
      %dma_wait3A_94 = arith.constant 0 : i32
      %dma_wait3A_95 = tpu.memref_slice %arg4[%dma_wait3A_93, %dma_wait3A_94] : memref<100000x128xf32, #tpu.memory_space<hbm>> -> memref<100000x128xf32, #tpu.memory_space<hbm>>
      tpu.wait_indirect_dma semaphore(%arg13 : memref<!tpu.dma_semaphore, #tpu.memory_space<semaphore_mem>>) src(%dma_wait3A_95 : memref<100000x128xf32, #tpu.memory_space<hbm>>) dst(%dma_wait3A_91 : memref<64x128xf32, #tpu.memory_space<vmem>>)
      %mul3A_96 = arith.constant 128 : i32
      %mul3A_97 = arith.muli %add3A_63, %mul3A_96 : i32
      %dma_wait3A_98 = arith.constant 0 : i32
      %dma_wait3A_99 = arith.constant 0 : i32
      %dma_wait3A_100 = arith.constant 0 : i32
      %dma_wait3A_101 = tpu.memref_slice %arg11[%dma_wait3A_98, %dma_wait3A_99, %dma_wait3A_100] : memref<2x128x128xf32, #tpu.memory_space<vmem>> -> memref<1x128x128xf32, #tpu.memory_space<vmem>>
      %dma_wait3A_102 = tpu.memref_squeeze %dma_wait3A_101 : memref<1x128x128xf32, #tpu.memory_space<vmem>> -> memref<128x128xf32, #tpu.memory_space<vmem>>
      %dma_wait3A_103 = tpu.memref_slice %arg9[%mul3A_97] : memref<25600xi32, #tpu.memory_space<vmem>> -> memref<128xi32, #tpu.memory_space<vmem>>
      %dma_wait3A_104 = arith.constant 0 : i32
      %dma_wait3A_105 = arith.constant 0 : i32
      %dma_wait3A_106 = tpu.memref_slice %arg7[%dma_wait3A_104, %dma_wait3A_105] : memref<512x128xf32, #tpu.memory_space<vmem_shared>> -> memref<512x128xf32, #tpu.memory_space<vmem_shared>>
      tpu.wait_indirect_dma semaphore(%arg16 : memref<!tpu.dma_semaphore, #tpu.memory_space<semaphore_mem>>) src(%dma_wait3A_106 : memref<512x128xf32, #tpu.memory_space<vmem_shared>>) dst(%dma_wait3A_102 : memref<128x128xf32, #tpu.memory_space<vmem>>)
      %ge3A = arith.constant 1 : i32
      %ge3A_107 = arith.cmpi sge, %add3A_63, %ge3A : i32
      %convert_element_type3A_108 = arith.extui %ge3A_107 : i1 to i32
      %cond3A_109 = arith.constant 0 : i32
      %cond3A_110 = arith.cmpi ne, %convert_element_type3A_108, %cond3A_109 : i32
      scf.if %cond3A_110 {
        %sub3A = arith.constant 1 : i32
        %sub3A_222 = arith.subi %add3A_63, %sub3A : i32
        %mul3A_223 = arith.constant 128 : i32
        %mul3A_224 = arith.muli %sub3A_222, %mul3A_223 : i32
        %add3A_225 = arith.addi %mul3A_2, %mul3A_224 : i32
        %dma_wait3A_226 = arith.constant 1 : i32
        %dma_wait3A_227 = arith.constant 0 : i32
        %dma_wait3A_228 = arith.constant 0 : i32
        %dma_wait3A_229 = tpu.memref_slice %arg10[%dma_wait3A_226, %dma_wait3A_227, %dma_wait3A_228] : memref<2x128x128xf32, #tpu.memory_space<vmem>> -> memref<1x128x128xf32, #tpu.memory_space<vmem>>
        %dma_wait3A_230 = tpu.memref_squeeze %dma_wait3A_229 : memref<1x128x128xf32, #tpu.memory_space<vmem>> -> memref<128x128xf32, #tpu.memory_space<vmem>>
        %dma_wait3A_231 = arith.constant 0 : i32
        %dma_wait3A_232 = tpu.memref_slice %arg6[%add3A_225, %dma_wait3A_231] : memref<819200x128xf32, #tpu.memory_space<hbm>> -> memref<128x128xf32, #tpu.memory_space<hbm>>
        %dma_wait3A_233 = arith.constant 0 : i32
        %dma_wait3A_234 = tpu.memref_slice %arg6[%add3A_225, %dma_wait3A_233] : memref<819200x128xf32, #tpu.memory_space<hbm>> -> memref<128x128xf32, #tpu.memory_space<hbm>>
        %dma_wait3A_235 = arith.constant 0 : i32
        %dma_wait3A_236 = arith.constant 0 : i32
        %dma_wait3A_237 = tpu.memref_slice %arg10[%dma_wait3A_226, %dma_wait3A_235, %dma_wait3A_236] : memref<2x128x128xf32, #tpu.memory_space<vmem>> -> memref<1x128x128xf32, #tpu.memory_space<vmem>>
        %dma_wait3A_238 = tpu.memref_squeeze %dma_wait3A_237 : memref<1x128x128xf32, #tpu.memory_space<vmem>> -> memref<128x128xf32, #tpu.memory_space<vmem>>
        tpu.wait_dma2 semaphore(%arg19 : memref<!tpu.dma_semaphore, #tpu.memory_space<semaphore_mem>>) src(%dma_wait3A_238 : memref<128x128xf32, #tpu.memory_space<vmem>>) dst(%dma_wait3A_234 : memref<128x128xf32, #tpu.memory_space<hbm>>)
      } else {
      }
      %add3A_111 = arith.constant 1 : i32
      %add3A_112 = arith.addi %add3A_63, %add3A_111 : i32
      %lt3A = arith.constant 200 : i32
      %lt3A_113 = arith.cmpi slt, %add3A_112, %lt3A : i32
      %convert_element_type3A_114 = arith.extui %lt3A_113 : i1 to i32
      %cond3A_115 = arith.constant 0 : i32
      %cond3A_116 = arith.cmpi ne, %convert_element_type3A_114, %cond3A_115 : i32
      scf.if %cond3A_116 {
        %add3A_222 = arith.constant 1 : i32
        %add3A_223 = arith.addi %add3A_63, %add3A_222 : i32
        %mul3A_224 = arith.constant 128 : i32
        %mul3A_225 = arith.muli %add3A_223, %mul3A_224 : i32
        %dma_start3A_226 = arith.constant 1 : i32
        %dma_start3A_227 = arith.constant 0 : i32
        %dma_start3A_228 = arith.constant 0 : i32
        %dma_start3A_229 = tpu.memref_slice %arg11[%dma_start3A_226, %dma_start3A_227, %dma_start3A_228] : memref<2x128x128xf32, #tpu.memory_space<vmem>> -> memref<1x128x128xf32, #tpu.memory_space<vmem>>
        %dma_start3A_230 = tpu.memref_squeeze %dma_start3A_229 : memref<1x128x128xf32, #tpu.memory_space<vmem>> -> memref<128x128xf32, #tpu.memory_space<vmem>>
        %dma_start3A_231 = tpu.memref_slice %arg9[%mul3A_225] : memref<25600xi32, #tpu.memory_space<vmem>> -> memref<128xi32, #tpu.memory_space<vmem>>
        %dma_start3A_232 = arith.constant 0 : i32
        %dma_start3A_233 = arith.constant 0 : i32
        %dma_start3A_234 = tpu.memref_slice %arg7[%dma_start3A_232, %dma_start3A_233] : memref<512x128xf32, #tpu.memory_space<vmem_shared>> -> memref<512x128xf32, #tpu.memory_space<vmem_shared>>
        tpu.enqueue_indirect_dma source(%dma_start3A_234 : memref<512x128xf32, #tpu.memory_space<vmem_shared>>) target(%dma_start3A_230 : memref<128x128xf32, #tpu.memory_space<vmem>>) offsets(%dma_start3A_231 : memref<128xi32, #tpu.memory_space<vmem>>) semaphore(%arg17 : memref<!tpu.dma_semaphore, #tpu.memory_space<semaphore_mem>>)
        %mul3A_235 = arith.constant 128 : i32
        %mul3A_236 = arith.muli %add3A_223, %mul3A_235 : i32
        %add3A_237 = arith.constant 0 : i32
        %add3A_238 = arith.addi %mul3A_236, %add3A_237 : i32
        %dma_start3A_239 = arith.constant 1 : i32
        %dma_start3A_240 = arith.constant 0 : i32
        %dma_start3A_241 = arith.constant 0 : i32
        %dma_start3A_242 = tpu.memref_slice %arg10[%dma_start3A_239, %dma_start3A_240, %dma_start3A_241] : memref<2x128x128xf32, #tpu.memory_space<vmem>> -> memref<1x128x128xf32, #tpu.memory_space<vmem>>
        %dma_start3A_243 = tpu.memref_squeeze %dma_start3A_242 : memref<1x128x128xf32, #tpu.memory_space<vmem>> -> memref<128x128xf32, #tpu.memory_space<vmem>>
        %dma_start3A_244 = arith.constant 0 : i32
        %dma_start3A_245 = arith.constant 0 : i32
        %dma_start3A_246 = tpu.memref_slice %dma_start3A_243[%dma_start3A_244, %dma_start3A_245] : memref<128x128xf32, #tpu.memory_space<vmem>> -> memref<64x128xf32, #tpu.memory_space<vmem>>
        %dma_start3A_247 = tpu.memref_slice %arg8[%add3A_238] : memref<25600xi32, #tpu.memory_space<vmem>> -> memref<64xi32, #tpu.memory_space<vmem>>
        %dma_start3A_248 = arith.constant 0 : i32
        %dma_start3A_249 = arith.constant 0 : i32
        %dma_start3A_250 = tpu.memref_slice %arg4[%dma_start3A_248, %dma_start3A_249] : memref<100000x128xf32, #tpu.memory_space<hbm>> -> memref<100000x128xf32, #tpu.memory_space<hbm>>
        tpu.enqueue_indirect_dma source(%dma_start3A_250 : memref<100000x128xf32, #tpu.memory_space<hbm>>) target(%dma_start3A_246 : memref<64x128xf32, #tpu.memory_space<vmem>>) offsets(%dma_start3A_247 : memref<64xi32, #tpu.memory_space<vmem>>) semaphore(%arg14 : memref<!tpu.dma_semaphore, #tpu.memory_space<semaphore_mem>>)
        %mul3A_251 = arith.constant 128 : i32
        %mul3A_252 = arith.muli %add3A_223, %mul3A_251 : i32
        %add3A_253 = arith.constant 64 : i32
        %add3A_254 = arith.addi %mul3A_252, %add3A_253 : i32
        %dma_start3A_255 = arith.constant 1 : i32
        %dma_start3A_256 = arith.constant 0 : i32
        %dma_start3A_257 = arith.constant 0 : i32
        %dma_start3A_258 = tpu.memref_slice %arg10[%dma_start3A_255, %dma_start3A_256, %dma_start3A_257] : memref<2x128x128xf32, #tpu.memory_space<vmem>> -> memref<1x128x128xf32, #tpu.memory_space<vmem>>
        %dma_start3A_259 = tpu.memref_squeeze %dma_start3A_258 : memref<1x128x128xf32, #tpu.memory_space<vmem>> -> memref<128x128xf32, #tpu.memory_space<vmem>>
        %dma_start3A_260 = arith.constant 64 : i32
        %dma_start3A_261 = arith.constant 0 : i32
        %dma_start3A_262 = tpu.memref_slice %dma_start3A_259[%dma_start3A_260, %dma_start3A_261] : memref<128x128xf32, #tpu.memory_space<vmem>> -> memref<64x128xf32, #tpu.memory_space<vmem>>
        %dma_start3A_263 = tpu.memref_slice %arg8[%add3A_254] : memref<25600xi32, #tpu.memory_space<vmem>> -> memref<64xi32, #tpu.memory_space<vmem>>
        %dma_start3A_264 = arith.constant 0 : i32
        %dma_start3A_265 = arith.constant 0 : i32
        %dma_start3A_266 = tpu.memref_slice %arg4[%dma_start3A_264, %dma_start3A_265] : memref<100000x128xf32, #tpu.memory_space<hbm>> -> memref<100000x128xf32, #tpu.memory_space<hbm>>
        tpu.enqueue_indirect_dma source(%dma_start3A_266 : memref<100000x128xf32, #tpu.memory_space<hbm>>) target(%dma_start3A_262 : memref<64x128xf32, #tpu.memory_space<vmem>>) offsets(%dma_start3A_263 : memref<64xi32, #tpu.memory_space<vmem>>) semaphore(%arg15 : memref<!tpu.dma_semaphore, #tpu.memory_space<semaphore_mem>>)
      } else {
      }
      %scan3A_117 = arith.constant 0 : i32
      %scan3A_118 = arith.constant 0 : i32
      %scan3A_119 = arith.constant 128 : i32
      %scan3A_120 = arith.addi %scan3A_118, %scan3A_119 : i32
      %scan3A_121 = arith.constant 1 : i32
      %scan3A_122 = scf.for %scan3A_222 = %scan3A_118 to %scan3A_120 step %scan3A_121 iter_args(%scan3A_223 = %scan3A_117) -> (i32)  : i32 {
        %get3A = arith.constant 0 : i32
        %get3A_224 = arith.constant 0 : i32
        %get3A_225 = arith.constant 0 : i32
        %get3A_226 = tpu.memref_slice %arg10[%get3A, %get3A_224, %get3A_225] : memref<2x128x128xf32, #tpu.memory_space<vmem>> -> memref<1x128x128xf32, #tpu.memory_space<vmem>>
        %get3A_227 = tpu.memref_squeeze %get3A_226 : memref<1x128x128xf32, #tpu.memory_space<vmem>> -> memref<128x128xf32, #tpu.memory_space<vmem>>
        %get3A_228 = arith.index_cast %scan3A_222 : i32 to index
        %get3A_229 = arith.constant 0 : index
        %get3A_230 = tpu.vector_load %get3A_227[%get3A_228, %get3A_229] {strides = array<i32>} : memref<128x128xf32, #tpu.memory_space<vmem>>, vector<1x16xf32>,
        %get3A_231 = vector.shape_cast %get3A_230 : vector<1x16xf32> to vector<16xf32>
        %get3A_232 = arith.constant 0 : i32
        %get3A_233 = arith.constant 0 : i32
        %get3A_234 = arith.constant 0 : i32
        %get3A_235 = tpu.memref_slice %arg11[%get3A_232, %get3A_233, %get3A_234] : memref<2x128x128xf32, #tpu.memory_space<vmem>> -> memref<1x128x128xf32, #tpu.memory_space<vmem>>
        %get3A_236 = tpu.memref_squeeze %get3A_235 : memref<1x128x128xf32, #tpu.memory_space<vmem>> -> memref<128x128xf32, #tpu.memory_space<vmem>>
        %get3A_237 = arith.index_cast %scan3A_222 : i32 to index
        %get3A_238 = arith.constant 0 : index
        %get3A_239 = tpu.vector_load %get3A_236[%get3A_237, %get3A_238] {strides = array<i32>} : memref<128x128xf32, #tpu.memory_space<vmem>>, vector<1x16xf32>,
        %get3A_240 = vector.shape_cast %get3A_239 : vector<1x16xf32> to vector<16xf32>
        %add3A_241 = arith.addf %get3A_231, %get3A_240 : vector<16xf32>
        %swap3A = arith.constant 0 : i32
        %swap3A_242 = arith.constant 0 : i32
        %swap3A_243 = arith.constant 0 : i32
        %swap3A_244 = tpu.memref_slice %arg10[%swap3A, %swap3A_242, %swap3A_243] : memref<2x128x128xf32, #tpu.memory_space<vmem>> -> memref<1x128x128xf32, #tpu.memory_space<vmem>>
        %swap3A_245 = tpu.memref_squeeze %swap3A_244 : memref<1x128x128xf32, #tpu.memory_space<vmem>> -> memref<128x128xf32, #tpu.memory_space<vmem>>
        %swap3A_246 = arith.index_cast %scan3A_222 : i32 to index
        %swap3A_247 = arith.constant 0 : index
        %swap3A_248 = tpu.vector_load %swap3A_245[%swap3A_246, %swap3A_247] {strides = array<i32>} : memref<128x128xf32, #tpu.memory_space<vmem>>, vector<1x16xf32>,
        %swap3A_249 = vector.shape_cast %swap3A_248 : vector<1x16xf32> to vector<16xf32>
        %swap3A_250 = vector.shape_cast %add3A_241 : vector<16xf32> to vector<1x16xf32>
        tpu.vector_store %swap3A_245[%swap3A_246, %swap3A_247], %swap3A_250 {strides = array<i32>} : memref<128x128xf32, #tpu.memory_space<vmem>>, vector<1x16xf32>,
        %get3A_251 = arith.constant 0 : i32
        %get3A_252 = arith.constant 0 : i32
        %get3A_253 = arith.constant 0 : i32
        %get3A_254 = tpu.memref_slice %arg10[%get3A_251, %get3A_252, %get3A_253] : memref<2x128x128xf32, #tpu.memory_space<vmem>> -> memref<1x128x128xf32, #tpu.memory_space<vmem>>
        %get3A_255 = tpu.memref_squeeze %get3A_254 : memref<1x128x128xf32, #tpu.memory_space<vmem>> -> memref<128x128xf32, #tpu.memory_space<vmem>>
        %get3A_256 = arith.index_cast %scan3A_222 : i32 to index
        %get3A_257 = arith.constant 16 : index
        %get3A_258 = tpu.vector_load %get3A_255[%get3A_256, %get3A_257] {strides = array<i32>} : memref<128x128xf32, #tpu.memory_space<vmem>>, vector<1x16xf32>,
        %get3A_259 = vector.shape_cast %get3A_258 : vector<1x16xf32> to vector<16xf32>
        %get3A_260 = arith.constant 0 : i32
        %get3A_261 = arith.constant 0 : i32
        %get3A_262 = arith.constant 0 : i32
        %get3A_263 = tpu.memref_slice %arg11[%get3A_260, %get3A_261, %get3A_262] : memref<2x128x128xf32, #tpu.memory_space<vmem>> -> memref<1x128x128xf32, #tpu.memory_space<vmem>>
        %get3A_264 = tpu.memref_squeeze %get3A_263 : memref<1x128x128xf32, #tpu.memory_space<vmem>> -> memref<128x128xf32, #tpu.memory_space<vmem>>
        %get3A_265 = arith.index_cast %scan3A_222 : i32 to index
        %get3A_266 = arith.constant 16 : index
        %get3A_267 = tpu.vector_load %get3A_264[%get3A_265, %get3A_266] {strides = array<i32>} : memref<128x128xf32, #tpu.memory_space<vmem>>, vector<1x16xf32>,
        %get3A_268 = vector.shape_cast %get3A_267 : vector<1x16xf32> to vector<16xf32>
        %add3A_269 = arith.addf %get3A_259, %get3A_268 : vector<16xf32>
        %swap3A_270 = arith.constant 0 : i32
        %swap3A_271 = arith.constant 0 : i32
        %swap3A_272 = arith.constant 0 : i32
        %swap3A_273 = tpu.memref_slice %arg10[%swap3A_270, %swap3A_271, %swap3A_272] : memref<2x128x128xf32, #tpu.memory_space<vmem>> -> memref<1x128x128xf32, #tpu.memory_space<vmem>>
        %swap3A_274 = tpu.memref_squeeze %swap3A_273 : memref<1x128x128xf32, #tpu.memory_space<vmem>> -> memref<128x128xf32, #tpu.memory_space<vmem>>
        %swap3A_275 = arith.index_cast %scan3A_222 : i32 to index
        %swap3A_276 = arith.constant 16 : index
        %swap3A_277 = tpu.vector_load %swap3A_274[%swap3A_275, %swap3A_276] {strides = array<i32>} : memref<128x128xf32, #tpu.memory_space<vmem>>, vector<1x16xf32>,
        %swap3A_278 = vector.shape_cast %swap3A_277 : vector<1x16xf32> to vector<16xf32>
        %swap3A_279 = vector.shape_cast %add3A_269 : vector<16xf32> to vector<1x16xf32>
        tpu.vector_store %swap3A_274[%swap3A_275, %swap3A_276], %swap3A_279 {strides = array<i32>} : memref<128x128xf32, #tpu.memory_space<vmem>>, vector<1x16xf32>,
        %get3A_280 = arith.constant 0 : i32
        %get3A_281 = arith.constant 0 : i32
        %get3A_282 = arith.constant 0 : i32
        %get3A_283 = tpu.memref_slice %arg10[%get3A_280, %get3A_281, %get3A_282] : memref<2x128x128xf32, #tpu.memory_space<vmem>> -> memref<1x128x128xf32, #tpu.memory_space<vmem>>
        %get3A_284 = tpu.memref_squeeze %get3A_283 : memref<1x128x128xf32, #tpu.memory_space<vmem>> -> memref<128x128xf32, #tpu.memory_space<vmem>>
        %get3A_285 = arith.index_cast %scan3A_222 : i32 to index
        %get3A_286 = arith.constant 32 : index
        %get3A_287 = tpu.vector_load %get3A_284[%get3A_285, %get3A_286] {strides = array<i32>} : memref<128x128xf32, #tpu.memory_space<vmem>>, vector<1x16xf32>,
        %get3A_288 = vector.shape_cast %get3A_287 : vector<1x16xf32> to vector<16xf32>
        %get3A_289 = arith.constant 0 : i32
        %get3A_290 = arith.constant 0 : i32
        %get3A_291 = arith.constant 0 : i32
        %get3A_292 = tpu.memref_slice %arg11[%get3A_289, %get3A_290, %get3A_291] : memref<2x128x128xf32, #tpu.memory_space<vmem>> -> memref<1x128x128xf32, #tpu.memory_space<vmem>>
        %get3A_293 = tpu.memref_squeeze %get3A_292 : memref<1x128x128xf32, #tpu.memory_space<vmem>> -> memref<128x128xf32, #tpu.memory_space<vmem>>
        %get3A_294 = arith.index_cast %scan3A_222 : i32 to index
        %get3A_295 = arith.constant 32 : index
        %get3A_296 = tpu.vector_load %get3A_293[%get3A_294, %get3A_295] {strides = array<i32>} : memref<128x128xf32, #tpu.memory_space<vmem>>, vector<1x16xf32>,
        %get3A_297 = vector.shape_cast %get3A_296 : vector<1x16xf32> to vector<16xf32>
        %add3A_298 = arith.addf %get3A_288, %get3A_297 : vector<16xf32>
        %swap3A_299 = arith.constant 0 : i32
        %swap3A_300 = arith.constant 0 : i32
        %swap3A_301 = arith.constant 0 : i32
        %swap3A_302 = tpu.memref_slice %arg10[%swap3A_299, %swap3A_300, %swap3A_301] : memref<2x128x128xf32, #tpu.memory_space<vmem>> -> memref<1x128x128xf32, #tpu.memory_space<vmem>>
        %swap3A_303 = tpu.memref_squeeze %swap3A_302 : memref<1x128x128xf32, #tpu.memory_space<vmem>> -> memref<128x128xf32, #tpu.memory_space<vmem>>
        %swap3A_304 = arith.index_cast %scan3A_222 : i32 to index
        %swap3A_305 = arith.constant 32 : index
        %swap3A_306 = tpu.vector_load %swap3A_303[%swap3A_304, %swap3A_305] {strides = array<i32>} : memref<128x128xf32, #tpu.memory_space<vmem>>, vector<1x16xf32>,
        %swap3A_307 = vector.shape_cast %swap3A_306 : vector<1x16xf32> to vector<16xf32>
        %swap3A_308 = vector.shape_cast %add3A_298 : vector<16xf32> to vector<1x16xf32>
        tpu.vector_store %swap3A_303[%swap3A_304, %swap3A_305], %swap3A_308 {strides = array<i32>} : memref<128x128xf32, #tpu.memory_space<vmem>>, vector<1x16xf32>,
        %get3A_309 = arith.constant 0 : i32
        %get3A_310 = arith.constant 0 : i32
        %get3A_311 = arith.constant 0 : i32
        %get3A_312 = tpu.memref_slice %arg10[%get3A_309, %get3A_310, %get3A_311] : memref<2x128x128xf32, #tpu.memory_space<vmem>> -> memref<1x128x128xf32, #tpu.memory_space<vmem>>
        %get3A_313 = tpu.memref_squeeze %get3A_312 : memref<1x128x128xf32, #tpu.memory_space<vmem>> -> memref<128x128xf32, #tpu.memory_space<vmem>>
        %get3A_314 = arith.index_cast %scan3A_222 : i32 to index
        %get3A_315 = arith.constant 48 : index
        %get3A_316 = tpu.vector_load %get3A_313[%get3A_314, %get3A_315] {strides = array<i32>} : memref<128x128xf32, #tpu.memory_space<vmem>>, vector<1x16xf32>,
        %get3A_317 = vector.shape_cast %get3A_316 : vector<1x16xf32> to vector<16xf32>
        %get3A_318 = arith.constant 0 : i32
        %get3A_319 = arith.constant 0 : i32
        %get3A_320 = arith.constant 0 : i32
        %get3A_321 = tpu.memref_slice %arg11[%get3A_318, %get3A_319, %get3A_320] : memref<2x128x128xf32, #tpu.memory_space<vmem>> -> memref<1x128x128xf32, #tpu.memory_space<vmem>>
        %get3A_322 = tpu.memref_squeeze %get3A_321 : memref<1x128x128xf32, #tpu.memory_space<vmem>> -> memref<128x128xf32, #tpu.memory_space<vmem>>
        %get3A_323 = arith.index_cast %scan3A_222 : i32 to index
        %get3A_324 = arith.constant 48 : index
        %get3A_325 = tpu.vector_load %get3A_322[%get3A_323, %get3A_324] {strides = array<i32>} : memref<128x128xf32, #tpu.memory_space<vmem>>, vector<1x16xf32>,
        %get3A_326 = vector.shape_cast %get3A_325 : vector<1x16xf32> to vector<16xf32>
        %add3A_327 = arith.addf %get3A_317, %get3A_326 : vector<16xf32>
        %swap3A_328 = arith.constant 0 : i32
        %swap3A_329 = arith.constant 0 : i32
        %swap3A_330 = arith.constant 0 : i32
        %swap3A_331 = tpu.memref_slice %arg10[%swap3A_328, %swap3A_329, %swap3A_330] : memref<2x128x128xf32, #tpu.memory_space<vmem>> -> memref<1x128x128xf32, #tpu.memory_space<vmem>>
        %swap3A_332 = tpu.memref_squeeze %swap3A_331 : memref<1x128x128xf32, #tpu.memory_space<vmem>> -> memref<128x128xf32, #tpu.memory_space<vmem>>
        %swap3A_333 = arith.index_cast %scan3A_222 : i32 to index
        %swap3A_334 = arith.constant 48 : index
        %swap3A_335 = tpu.vector_load %swap3A_332[%swap3A_333, %swap3A_334] {strides = array<i32>} : memref<128x128xf32, #tpu.memory_space<vmem>>, vector<1x16xf32>,
        %swap3A_336 = vector.shape_cast %swap3A_335 : vector<1x16xf32> to vector<16xf32>
        %swap3A_337 = vector.shape_cast %add3A_327 : vector<16xf32> to vector<1x16xf32>
        tpu.vector_store %swap3A_332[%swap3A_333, %swap3A_334], %swap3A_337 {strides = array<i32>} : memref<128x128xf32, #tpu.memory_space<vmem>>, vector<1x16xf32>,
        %get3A_338 = arith.constant 0 : i32
        %get3A_339 = arith.constant 0 : i32
        %get3A_340 = arith.constant 0 : i32
        %get3A_341 = tpu.memref_slice %arg10[%get3A_338, %get3A_339, %get3A_340] : memref<2x128x128xf32, #tpu.memory_space<vmem>> -> memref<1x128x128xf32, #tpu.memory_space<vmem>>
        %get3A_342 = tpu.memref_squeeze %get3A_341 : memref<1x128x128xf32, #tpu.memory_space<vmem>> -> memref<128x128xf32, #tpu.memory_space<vmem>>
        %get3A_343 = arith.index_cast %scan3A_222 : i32 to index
        %get3A_344 = arith.constant 64 : index
        %get3A_345 = tpu.vector_load %get3A_342[%get3A_343, %get3A_344] {strides = array<i32>} : memref<128x128xf32, #tpu.memory_space<vmem>>, vector<1x16xf32>,
        %get3A_346 = vector.shape_cast %get3A_345 : vector<1x16xf32> to vector<16xf32>
        %get3A_347 = arith.constant 0 : i32
        %get3A_348 = arith.constant 0 : i32
        %get3A_349 = arith.constant 0 : i32
        %get3A_350 = tpu.memref_slice %arg11[%get3A_347, %get3A_348, %get3A_349] : memref<2x128x128xf32, #tpu.memory_space<vmem>> -> memref<1x128x128xf32, #tpu.memory_space<vmem>>
        %get3A_351 = tpu.memref_squeeze %get3A_350 : memref<1x128x128xf32, #tpu.memory_space<vmem>> -> memref<128x128xf32, #tpu.memory_space<vmem>>
        %get3A_352 = arith.index_cast %scan3A_222 : i32 to index
        %get3A_353 = arith.constant 64 : index
        %get3A_354 = tpu.vector_load %get3A_351[%get3A_352, %get3A_353] {strides = array<i32>} : memref<128x128xf32, #tpu.memory_space<vmem>>, vector<1x16xf32>,
        %get3A_355 = vector.shape_cast %get3A_354 : vector<1x16xf32> to vector<16xf32>
        %add3A_356 = arith.addf %get3A_346, %get3A_355 : vector<16xf32>
        %swap3A_357 = arith.constant 0 : i32
        %swap3A_358 = arith.constant 0 : i32
        %swap3A_359 = arith.constant 0 : i32
        %swap3A_360 = tpu.memref_slice %arg10[%swap3A_357, %swap3A_358, %swap3A_359] : memref<2x128x128xf32, #tpu.memory_space<vmem>> -> memref<1x128x128xf32, #tpu.memory_space<vmem>>
        %swap3A_361 = tpu.memref_squeeze %swap3A_360 : memref<1x128x128xf32, #tpu.memory_space<vmem>> -> memref<128x128xf32, #tpu.memory_space<vmem>>
        %swap3A_362 = arith.index_cast %scan3A_222 : i32 to index
        %swap3A_363 = arith.constant 64 : index
        %swap3A_364 = tpu.vector_load %swap3A_361[%swap3A_362, %swap3A_363] {strides = array<i32>} : memref<128x128xf32, #tpu.memory_space<vmem>>, vector<1x16xf32>,
        %swap3A_365 = vector.shape_cast %swap3A_364 : vector<1x16xf32> to vector<16xf32>
        %swap3A_366 = vector.shape_cast %add3A_356 : vector<16xf32> to vector<1x16xf32>
        tpu.vector_store %swap3A_361[%swap3A_362, %swap3A_363], %swap3A_366 {strides = array<i32>} : memref<128x128xf32, #tpu.memory_space<vmem>>, vector<1x16xf32>,
        %get3A_367 = arith.constant 0 : i32
        %get3A_368 = arith.constant 0 : i32
        %get3A_369 = arith.constant 0 : i32
        %get3A_370 = tpu.memref_slice %arg10[%get3A_367, %get3A_368, %get3A_369] : memref<2x128x128xf32, #tpu.memory_space<vmem>> -> memref<1x128x128xf32, #tpu.memory_space<vmem>>
        %get3A_371 = tpu.memref_squeeze %get3A_370 : memref<1x128x128xf32, #tpu.memory_space<vmem>> -> memref<128x128xf32, #tpu.memory_space<vmem>>
        %get3A_372 = arith.index_cast %scan3A_222 : i32 to index
        %get3A_373 = arith.constant 80 : index
        %get3A_374 = tpu.vector_load %get3A_371[%get3A_372, %get3A_373] {strides = array<i32>} : memref<128x128xf32, #tpu.memory_space<vmem>>, vector<1x16xf32>,
        %get3A_375 = vector.shape_cast %get3A_374 : vector<1x16xf32> to vector<16xf32>
        %get3A_376 = arith.constant 0 : i32
        %get3A_377 = arith.constant 0 : i32
        %get3A_378 = arith.constant 0 : i32
        %get3A_379 = tpu.memref_slice %arg11[%get3A_376, %get3A_377, %get3A_378] : memref<2x128x128xf32, #tpu.memory_space<vmem>> -> memref<1x128x128xf32, #tpu.memory_space<vmem>>
        %get3A_380 = tpu.memref_squeeze %get3A_379 : memref<1x128x128xf32, #tpu.memory_space<vmem>> -> memref<128x128xf32, #tpu.memory_space<vmem>>
        %get3A_381 = arith.index_cast %scan3A_222 : i32 to index
        %get3A_382 = arith.constant 80 : index
        %get3A_383 = tpu.vector_load %get3A_380[%get3A_381, %get3A_382] {strides = array<i32>} : memref<128x128xf32, #tpu.memory_space<vmem>>, vector<1x16xf32>,
        %get3A_384 = vector.shape_cast %get3A_383 : vector<1x16xf32> to vector<16xf32>
        %add3A_385 = arith.addf %get3A_375, %get3A_384 : vector<16xf32>
        %swap3A_386 = arith.constant 0 : i32
        %swap3A_387 = arith.constant 0 : i32
        %swap3A_388 = arith.constant 0 : i32
        %swap3A_389 = tpu.memref_slice %arg10[%swap3A_386, %swap3A_387, %swap3A_388] : memref<2x128x128xf32, #tpu.memory_space<vmem>> -> memref<1x128x128xf32, #tpu.memory_space<vmem>>
        %swap3A_390 = tpu.memref_squeeze %swap3A_389 : memref<1x128x128xf32, #tpu.memory_space<vmem>> -> memref<128x128xf32, #tpu.memory_space<vmem>>
        %swap3A_391 = arith.index_cast %scan3A_222 : i32 to index
        %swap3A_392 = arith.constant 80 : index
        %swap3A_393 = tpu.vector_load %swap3A_390[%swap3A_391, %swap3A_392] {strides = array<i32>} : memref<128x128xf32, #tpu.memory_space<vmem>>, vector<1x16xf32>,
        %swap3A_394 = vector.shape_cast %swap3A_393 : vector<1x16xf32> to vector<16xf32>
        %swap3A_395 = vector.shape_cast %add3A_385 : vector<16xf32> to vector<1x16xf32>
        tpu.vector_store %swap3A_390[%swap3A_391, %swap3A_392], %swap3A_395 {strides = array<i32>} : memref<128x128xf32, #tpu.memory_space<vmem>>, vector<1x16xf32>,
        %get3A_396 = arith.constant 0 : i32
        %get3A_397 = arith.constant 0 : i32
        %get3A_398 = arith.constant 0 : i32
        %get3A_399 = tpu.memref_slice %arg10[%get3A_396, %get3A_397, %get3A_398] : memref<2x128x128xf32, #tpu.memory_space<vmem>> -> memref<1x128x128xf32, #tpu.memory_space<vmem>>
        %get3A_400 = tpu.memref_squeeze %get3A_399 : memref<1x128x128xf32, #tpu.memory_space<vmem>> -> memref<128x128xf32, #tpu.memory_space<vmem>>
        %get3A_401 = arith.index_cast %scan3A_222 : i32 to index
        %get3A_402 = arith.constant 96 : index
        %get3A_403 = tpu.vector_load %get3A_400[%get3A_401, %get3A_402] {strides = array<i32>} : memref<128x128xf32, #tpu.memory_space<vmem>>, vector<1x16xf32>,
        %get3A_404 = vector.shape_cast %get3A_403 : vector<1x16xf32> to vector<16xf32>
        %get3A_405 = arith.constant 0 : i32
        %get3A_406 = arith.constant 0 : i32
        %get3A_407 = arith.constant 0 : i32
        %get3A_408 = tpu.memref_slice %arg11[%get3A_405, %get3A_406, %get3A_407] : memref<2x128x128xf32, #tpu.memory_space<vmem>> -> memref<1x128x128xf32, #tpu.memory_space<vmem>>
        %get3A_409 = tpu.memref_squeeze %get3A_408 : memref<1x128x128xf32, #tpu.memory_space<vmem>> -> memref<128x128xf32, #tpu.memory_space<vmem>>
        %get3A_410 = arith.index_cast %scan3A_222 : i32 to index
        %get3A_411 = arith.constant 96 : index
        %get3A_412 = tpu.vector_load %get3A_409[%get3A_410, %get3A_411] {strides = array<i32>} : memref<128x128xf32, #tpu.memory_space<vmem>>, vector<1x16xf32>,
        %get3A_413 = vector.shape_cast %get3A_412 : vector<1x16xf32> to vector<16xf32>
        %add3A_414 = arith.addf %get3A_404, %get3A_413 : vector<16xf32>
        %swap3A_415 = arith.constant 0 : i32
        %swap3A_416 = arith.constant 0 : i32
        %swap3A_417 = arith.constant 0 : i32
        %swap3A_418 = tpu.memref_slice %arg10[%swap3A_415, %swap3A_416, %swap3A_417] : memref<2x128x128xf32, #tpu.memory_space<vmem>> -> memref<1x128x128xf32, #tpu.memory_space<vmem>>
        %swap3A_419 = tpu.memref_squeeze %swap3A_418 : memref<1x128x128xf32, #tpu.memory_space<vmem>> -> memref<128x128xf32, #tpu.memory_space<vmem>>
        %swap3A_420 = arith.index_cast %scan3A_222 : i32 to index
        %swap3A_421 = arith.constant 96 : index
        %swap3A_422 = tpu.vector_load %swap3A_419[%swap3A_420, %swap3A_421] {strides = array<i32>} : memref<128x128xf32, #tpu.memory_space<vmem>>, vector<1x16xf32>,
        %swap3A_423 = vector.shape_cast %swap3A_422 : vector<1x16xf32> to vector<16xf32>
        %swap3A_424 = vector.shape_cast %add3A_414 : vector<16xf32> to vector<1x16xf32>
        tpu.vector_store %swap3A_419[%swap3A_420, %swap3A_421], %swap3A_424 {strides = array<i32>} : memref<128x128xf32, #tpu.memory_space<vmem>>, vector<1x16xf32>,
        %get3A_425 = arith.constant 0 : i32
        %get3A_426 = arith.constant 0 : i32
        %get3A_427 = arith.constant 0 : i32
        %get3A_428 = tpu.memref_slice %arg10[%get3A_425, %get3A_426, %get3A_427] : memref<2x128x128xf32, #tpu.memory_space<vmem>> -> memref<1x128x128xf32, #tpu.memory_space<vmem>>
        %get3A_429 = tpu.memref_squeeze %get3A_428 : memref<1x128x128xf32, #tpu.memory_space<vmem>> -> memref<128x128xf32, #tpu.memory_space<vmem>>
        %get3A_430 = arith.index_cast %scan3A_222 : i32 to index
        %get3A_431 = arith.constant 112 : index
        %get3A_432 = tpu.vector_load %get3A_429[%get3A_430, %get3A_431] {strides = array<i32>} : memref<128x128xf32, #tpu.memory_space<vmem>>, vector<1x16xf32>,
        %get3A_433 = vector.shape_cast %get3A_432 : vector<1x16xf32> to vector<16xf32>
        %get3A_434 = arith.constant 0 : i32
        %get3A_435 = arith.constant 0 : i32
        %get3A_436 = arith.constant 0 : i32
        %get3A_437 = tpu.memref_slice %arg11[%get3A_434, %get3A_435, %get3A_436] : memref<2x128x128xf32, #tpu.memory_space<vmem>> -> memref<1x128x128xf32, #tpu.memory_space<vmem>>
        %get3A_438 = tpu.memref_squeeze %get3A_437 : memref<1x128x128xf32, #tpu.memory_space<vmem>> -> memref<128x128xf32, #tpu.memory_space<vmem>>
        %get3A_439 = arith.index_cast %scan3A_222 : i32 to index
        %get3A_440 = arith.constant 112 : index
        %get3A_441 = tpu.vector_load %get3A_438[%get3A_439, %get3A_440] {strides = array<i32>} : memref<128x128xf32, #tpu.memory_space<vmem>>, vector<1x16xf32>,
        %get3A_442 = vector.shape_cast %get3A_441 : vector<1x16xf32> to vector<16xf32>
        %add3A_443 = arith.addf %get3A_433, %get3A_442 : vector<16xf32>
        %swap3A_444 = arith.constant 0 : i32
        %swap3A_445 = arith.constant 0 : i32
        %swap3A_446 = arith.constant 0 : i32
        %swap3A_447 = tpu.memref_slice %arg10[%swap3A_444, %swap3A_445, %swap3A_446] : memref<2x128x128xf32, #tpu.memory_space<vmem>> -> memref<1x128x128xf32, #tpu.memory_space<vmem>>
        %swap3A_448 = tpu.memref_squeeze %swap3A_447 : memref<1x128x128xf32, #tpu.memory_space<vmem>> -> memref<128x128xf32, #tpu.memory_space<vmem>>
        %swap3A_449 = arith.index_cast %scan3A_222 : i32 to index
        %swap3A_450 = arith.constant 112 : index
        %swap3A_451 = tpu.vector_load %swap3A_448[%swap3A_449, %swap3A_450] {strides = array<i32>} : memref<128x128xf32, #tpu.memory_space<vmem>>, vector<1x16xf32>,
        %swap3A_452 = vector.shape_cast %swap3A_451 : vector<1x16xf32> to vector<16xf32>
        %swap3A_453 = vector.shape_cast %add3A_443 : vector<16xf32> to vector<1x16xf32>
        tpu.vector_store %swap3A_448[%swap3A_449, %swap3A_450], %swap3A_453 {strides = array<i32>} : memref<128x128xf32, #tpu.memory_space<vmem>>, vector<1x16xf32>,
        %scan3A_454 = arith.constant 0 : i32
        scf.yield %scan3A_454 : i32
      }
      %scan3A_123 = arith.constant 128 : i32
      %mul3A_124 = arith.constant 128 : i32
      %mul3A_125 = arith.muli %add3A_63, %mul3A_124 : i32
      %add3A_126 = arith.addi %mul3A_2, %mul3A_125 : i32
      %dma_start3A_127 = arith.constant 0 : i32
      %dma_start3A_128 = arith.constant 0 : i32
      %dma_start3A_129 = arith.constant 0 : i32
      %dma_start3A_130 = tpu.memref_slice %arg10[%dma_start3A_127, %dma_start3A_128, %dma_start3A_129] : memref<2x128x128xf32, #tpu.memory_space<vmem>> -> memref<1x128x128xf32, #tpu.memory_space<vmem>>
      %dma_start3A_131 = tpu.memref_squeeze %dma_start3A_130 : memref<1x128x128xf32, #tpu.memory_space<vmem>> -> memref<128x128xf32, #tpu.memory_space<vmem>>
      %dma_start3A_132 = arith.constant 0 : i32
      %dma_start3A_133 = tpu.memref_slice %arg6[%add3A_126, %dma_start3A_132] : memref<819200x128xf32, #tpu.memory_space<hbm>> -> memref<128x128xf32, #tpu.memory_space<hbm>>
      %dma_start3A_134 = arith.constant 0 : i32
      %dma_start3A_135 = tpu.memref_slice %arg6[%add3A_126, %dma_start3A_134] : memref<819200x128xf32, #tpu.memory_space<hbm>> -> memref<128x128xf32, #tpu.memory_space<hbm>>
      %dma_start3A_136 = arith.constant 0 : i32
      %dma_start3A_137 = arith.constant 0 : i32
      %dma_start3A_138 = tpu.memref_slice %arg10[%dma_start3A_127, %dma_start3A_136, %dma_start3A_137] : memref<2x128x128xf32, #tpu.memory_space<vmem>> -> memref<1x128x128xf32, #tpu.memory_space<vmem>>
      %dma_start3A_139 = tpu.memref_squeeze %dma_start3A_138 : memref<1x128x128xf32, #tpu.memory_space<vmem>> -> memref<128x128xf32, #tpu.memory_space<vmem>>
      tpu.enqueue_dma source(%dma_start3A_139 : memref<128x128xf32, #tpu.memory_space<vmem>>) target(%dma_start3A_135 : memref<128x128xf32, #tpu.memory_space<hbm>>) target_semaphore(%arg18 : memref<!tpu.dma_semaphore, #tpu.memory_space<semaphore_mem>>)
      %mul3A_140 = arith.constant 2 : i32
      %mul3A_141 = arith.muli %mul3A_140, %scan3A_59 : i32
      %add3A_142 = arith.constant 1 : i32
      %add3A_143 = arith.addi %mul3A_141, %add3A_142 : i32
      %mul3A_144 = arith.constant 128 : i32
      %mul3A_145 = arith.muli %add3A_143, %mul3A_144 : i32
      %add3A_146 = arith.constant 0 : i32
      %add3A_147 = arith.addi %mul3A_145, %add3A_146 : i32
      %dma_wait3A_148 = arith.constant 1 : i32
      %dma_wait3A_149 = arith.constant 0 : i32
      %dma_wait3A_150 = arith.constant 0 : i32
      %dma_wait3A_151 = tpu.memref_slice %arg10[%dma_wait3A_148, %dma_wait3A_149, %dma_wait3A_150] : memref<2x128x128xf32, #tpu.memory_space<vmem>> -> memref<1x128x128xf32, #tpu.memory_space<vmem>>
      %dma_wait3A_152 = tpu.memref_squeeze %dma_wait3A_151 : memref<1x128x128xf32, #tpu.memory_space<vmem>> -> memref<128x128xf32, #tpu.memory_space<vmem>>
      %dma_wait3A_153 = arith.constant 0 : i32
      %dma_wait3A_154 = arith.constant 0 : i32
      %dma_wait3A_155 = tpu.memref_slice %dma_wait3A_152[%dma_wait3A_153, %dma_wait3A_154] : memref<128x128xf32, #tpu.memory_space<vmem>> -> memref<64x128xf32, #tpu.memory_space<vmem>>
      %dma_wait3A_156 = tpu.memref_slice %arg8[%add3A_147] : memref<25600xi32, #tpu.memory_space<vmem>> -> memref<64xi32, #tpu.memory_space<vmem>>
      %dma_wait3A_157 = arith.constant 0 : i32
      %dma_wait3A_158 = arith.constant 0 : i32
      %dma_wait3A_159 = tpu.memref_slice %arg4[%dma_wait3A_157, %dma_wait3A_158] : memref<100000x128xf32, #tpu.memory_space<hbm>> -> memref<100000x128xf32, #tpu.memory_space<hbm>>
      tpu.wait_indirect_dma semaphore(%arg14 : memref<!tpu.dma_semaphore, #tpu.memory_space<semaphore_mem>>) src(%dma_wait3A_159 : memref<100000x128xf32, #tpu.memory_space<hbm>>) dst(%dma_wait3A_155 : memref<64x128xf32, #tpu.memory_space<vmem>>)
      %mul3A_160 = arith.constant 128 : i32
      %mul3A_161 = arith.muli %add3A_143, %mul3A_160 : i32
      %add3A_162 = arith.constant 64 : i32
      %add3A_163 = arith.addi %mul3A_161, %add3A_162 : i32
      %dma_wait3A_164 = arith.constant 1 : i32
      %dma_wait3A_165 = arith.constant 0 : i32
      %dma_wait3A_166 = arith.constant 0 : i32
      %dma_wait3A_167 = tpu.memref_slice %arg10[%dma_wait3A_164, %dma_wait3A_165, %dma_wait3A_166] : memref<2x128x128xf32, #tpu.memory_space<vmem>> -> memref<1x128x128xf32, #tpu.memory_space<vmem>>
      %dma_wait3A_168 = tpu.memref_squeeze %dma_wait3A_167 : memref<1x128x128xf32, #tpu.memory_space<vmem>> -> memref<128x128xf32, #tpu.memory_space<vmem>>
      %dma_wait3A_169 = arith.constant 64 : i32
      %dma_wait3A_170 = arith.constant 0 : i32
      %dma_wait3A_171 = tpu.memref_slice %dma_wait3A_168[%dma_wait3A_169, %dma_wait3A_170] : memref<128x128xf32, #tpu.memory_space<vmem>> -> memref<64x128xf32, #tpu.memory_space<vmem>>
      %dma_wait3A_172 = tpu.memref_slice %arg8[%add3A_163] : memref<25600xi32, #tpu.memory_space<vmem>> -> memref<64xi32, #tpu.memory_space<vmem>>
      %dma_wait3A_173 = arith.constant 0 : i32
      %dma_wait3A_174 = arith.constant 0 : i32
      %dma_wait3A_175 = tpu.memref_slice %arg4[%dma_wait3A_173, %dma_wait3A_174] : memref<100000x128xf32, #tpu.memory_space<hbm>> -> memref<100000x128xf32, #tpu.memory_space<hbm>>
      tpu.wait_indirect_dma semaphore(%arg15 : memref<!tpu.dma_semaphore, #tpu.memory_space<semaphore_mem>>) src(%dma_wait3A_175 : memref<100000x128xf32, #tpu.memory_space<hbm>>) dst(%dma_wait3A_171 : memref<64x128xf32, #tpu.memory_space<vmem>>)
      %mul3A_176 = arith.constant 128 : i32
      %mul3A_177 = arith.muli %add3A_143, %mul3A_176 : i32
      %dma_wait3A_178 = arith.constant 1 : i32
      %dma_wait3A_179 = arith.constant 0 : i32
      %dma_wait3A_180 = arith.constant 0 : i32
      %dma_wait3A_181 = tpu.memref_slice %arg11[%dma_wait3A_178, %dma_wait3A_179, %dma_wait3A_180] : memref<2x128x128xf32, #tpu.memory_space<vmem>> -> memref<1x128x128xf32, #tpu.memory_space<vmem>>
      %dma_wait3A_182 = tpu.memref_squeeze %dma_wait3A_181 : memref<1x128x128xf32, #tpu.memory_space<vmem>> -> memref<128x128xf32, #tpu.memory_space<vmem>>
      %dma_wait3A_183 = tpu.memref_slice %arg9[%mul3A_177] : memref<25600xi32, #tpu.memory_space<vmem>> -> memref<128xi32, #tpu.memory_space<vmem>>
      %dma_wait3A_184 = arith.constant 0 : i32
      %dma_wait3A_185 = arith.constant 0 : i32
      %dma_wait3A_186 = tpu.memref_slice %arg7[%dma_wait3A_184, %dma_wait3A_185] : memref<512x128xf32, #tpu.memory_space<vmem_shared>> -> memref<512x128xf32, #tpu.memory_space<vmem_shared>>
      tpu.wait_indirect_dma semaphore(%arg17 : memref<!tpu.dma_semaphore, #tpu.memory_space<semaphore_mem>>) src(%dma_wait3A_186 : memref<512x128xf32, #tpu.memory_space<vmem_shared>>) dst(%dma_wait3A_182 : memref<128x128xf32, #tpu.memory_space<vmem>>)
      %ge3A_187 = arith.constant 1 : i32
      %ge3A_188 = arith.cmpi sge, %add3A_143, %ge3A_187 : i32
      %convert_element_type3A_189 = arith.extui %ge3A_188 : i1 to i32
      %cond3A_190 = arith.constant 0 : i32
      %cond3A_191 = arith.cmpi ne, %convert_element_type3A_189, %cond3A_190 : i32
      scf.if %cond3A_191 {
        %sub3A = arith.constant 1 : i32
        %sub3A_222 = arith.subi %add3A_143, %sub3A : i32
        %mul3A_223 = arith.constant 128 : i32
        %mul3A_224 = arith.muli %sub3A_222, %mul3A_223 : i32
        %add3A_225 = arith.addi %mul3A_2, %mul3A_224 : i32
        %dma_wait3A_226 = arith.constant 0 : i32
        %dma_wait3A_227 = arith.constant 0 : i32
        %dma_wait3A_228 = arith.constant 0 : i32
        %dma_wait3A_229 = tpu.memref_slice %arg10[%dma_wait3A_226, %dma_wait3A_227, %dma_wait3A_228] : memref<2x128x128xf32, #tpu.memory_space<vmem>> -> memref<1x128x128xf32, #tpu.memory_space<vmem>>
        %dma_wait3A_230 = tpu.memref_squeeze %dma_wait3A_229 : memref<1x128x128xf32, #tpu.memory_space<vmem>> -> memref<128x128xf32, #tpu.memory_space<vmem>>
        %dma_wait3A_231 = arith.constant 0 : i32
        %dma_wait3A_232 = tpu.memref_slice %arg6[%add3A_225, %dma_wait3A_231] : memref<819200x128xf32, #tpu.memory_space<hbm>> -> memref<128x128xf32, #tpu.memory_space<hbm>>
        %dma_wait3A_233 = arith.constant 0 : i32
        %dma_wait3A_234 = tpu.memref_slice %arg6[%add3A_225, %dma_wait3A_233] : memref<819200x128xf32, #tpu.memory_space<hbm>> -> memref<128x128xf32, #tpu.memory_space<hbm>>
        %dma_wait3A_235 = arith.constant 0 : i32
        %dma_wait3A_236 = arith.constant 0 : i32
        %dma_wait3A_237 = tpu.memref_slice %arg10[%dma_wait3A_226, %dma_wait3A_235, %dma_wait3A_236] : memref<2x128x128xf32, #tpu.memory_space<vmem>> -> memref<1x128x128xf32, #tpu.memory_space<vmem>>
        %dma_wait3A_238 = tpu.memref_squeeze %dma_wait3A_237 : memref<1x128x128xf32, #tpu.memory_space<vmem>> -> memref<128x128xf32, #tpu.memory_space<vmem>>
        tpu.wait_dma2 semaphore(%arg18 : memref<!tpu.dma_semaphore, #tpu.memory_space<semaphore_mem>>) src(%dma_wait3A_238 : memref<128x128xf32, #tpu.memory_space<vmem>>) dst(%dma_wait3A_234 : memref<128x128xf32, #tpu.memory_space<hbm>>)
      } else {
      }
      %add3A_192 = arith.constant 1 : i32
      %add3A_193 = arith.addi %add3A_143, %add3A_192 : i32
      %lt3A_194 = arith.constant 200 : i32
      %lt3A_195 = arith.cmpi slt, %add3A_193, %lt3A_194 : i32
      %convert_element_type3A_196 = arith.extui %lt3A_195 : i1 to i32
      %cond3A_197 = arith.constant 0 : i32
      %cond3A_198 = arith.cmpi ne, %convert_element_type3A_196, %cond3A_197 : i32
      scf.if %cond3A_198 {
        %add3A_222 = arith.constant 1 : i32
        %add3A_223 = arith.addi %add3A_143, %add3A_222 : i32
        %mul3A_224 = arith.constant 128 : i32
        %mul3A_225 = arith.muli %add3A_223, %mul3A_224 : i32
        %dma_start3A_226 = arith.constant 0 : i32
        %dma_start3A_227 = arith.constant 0 : i32
        %dma_start3A_228 = arith.constant 0 : i32
        %dma_start3A_229 = tpu.memref_slice %arg11[%dma_start3A_226, %dma_start3A_227, %dma_start3A_228] : memref<2x128x128xf32, #tpu.memory_space<vmem>> -> memref<1x128x128xf32, #tpu.memory_space<vmem>>
        %dma_start3A_230 = tpu.memref_squeeze %dma_start3A_229 : memref<1x128x128xf32, #tpu.memory_space<vmem>> -> memref<128x128xf32, #tpu.memory_space<vmem>>
        %dma_start3A_231 = tpu.memref_slice %arg9[%mul3A_225] : memref<25600xi32, #tpu.memory_space<vmem>> -> memref<128xi32, #tpu.memory_space<vmem>>
        %dma_start3A_232 = arith.constant 0 : i32
        %dma_start3A_233 = arith.constant 0 : i32
        %dma_start3A_234 = tpu.memref_slice %arg7[%dma_start3A_232, %dma_start3A_233] : memref<512x128xf32, #tpu.memory_space<vmem_shared>> -> memref<512x128xf32, #tpu.memory_space<vmem_shared>>
        tpu.enqueue_indirect_dma source(%dma_start3A_234 : memref<512x128xf32, #tpu.memory_space<vmem_shared>>) target(%dma_start3A_230 : memref<128x128xf32, #tpu.memory_space<vmem>>) offsets(%dma_start3A_231 : memref<128xi32, #tpu.memory_space<vmem>>) semaphore(%arg16 : memref<!tpu.dma_semaphore, #tpu.memory_space<semaphore_mem>>)
        %mul3A_235 = arith.constant 128 : i32
        %mul3A_236 = arith.muli %add3A_223, %mul3A_235 : i32
        %add3A_237 = arith.constant 0 : i32
        %add3A_238 = arith.addi %mul3A_236, %add3A_237 : i32
        %dma_start3A_239 = arith.constant 0 : i32
        %dma_start3A_240 = arith.constant 0 : i32
        %dma_start3A_241 = arith.constant 0 : i32
        %dma_start3A_242 = tpu.memref_slice %arg10[%dma_start3A_239, %dma_start3A_240, %dma_start3A_241] : memref<2x128x128xf32, #tpu.memory_space<vmem>> -> memref<1x128x128xf32, #tpu.memory_space<vmem>>
        %dma_start3A_243 = tpu.memref_squeeze %dma_start3A_242 : memref<1x128x128xf32, #tpu.memory_space<vmem>> -> memref<128x128xf32, #tpu.memory_space<vmem>>
        %dma_start3A_244 = arith.constant 0 : i32
        %dma_start3A_245 = arith.constant 0 : i32
        %dma_start3A_246 = tpu.memref_slice %dma_start3A_243[%dma_start3A_244, %dma_start3A_245] : memref<128x128xf32, #tpu.memory_space<vmem>> -> memref<64x128xf32, #tpu.memory_space<vmem>>
        %dma_start3A_247 = tpu.memref_slice %arg8[%add3A_238] : memref<25600xi32, #tpu.memory_space<vmem>> -> memref<64xi32, #tpu.memory_space<vmem>>
        %dma_start3A_248 = arith.constant 0 : i32
        %dma_start3A_249 = arith.constant 0 : i32
        %dma_start3A_250 = tpu.memref_slice %arg4[%dma_start3A_248, %dma_start3A_249] : memref<100000x128xf32, #tpu.memory_space<hbm>> -> memref<100000x128xf32, #tpu.memory_space<hbm>>
        tpu.enqueue_indirect_dma source(%dma_start3A_250 : memref<100000x128xf32, #tpu.memory_space<hbm>>) target(%dma_start3A_246 : memref<64x128xf32, #tpu.memory_space<vmem>>) offsets(%dma_start3A_247 : memref<64xi32, #tpu.memory_space<vmem>>) semaphore(%arg12 : memref<!tpu.dma_semaphore, #tpu.memory_space<semaphore_mem>>)
        %mul3A_251 = arith.constant 128 : i32
        %mul3A_252 = arith.muli %add3A_223, %mul3A_251 : i32
        %add3A_253 = arith.constant 64 : i32
        %add3A_254 = arith.addi %mul3A_252, %add3A_253 : i32
        %dma_start3A_255 = arith.constant 0 : i32
        %dma_start3A_256 = arith.constant 0 : i32
        %dma_start3A_257 = arith.constant 0 : i32
        %dma_start3A_258 = tpu.memref_slice %arg10[%dma_start3A_255, %dma_start3A_256, %dma_start3A_257] : memref<2x128x128xf32, #tpu.memory_space<vmem>> -> memref<1x128x128xf32, #tpu.memory_space<vmem>>
        %dma_start3A_259 = tpu.memref_squeeze %dma_start3A_258 : memref<1x128x128xf32, #tpu.memory_space<vmem>> -> memref<128x128xf32, #tpu.memory_space<vmem>>
        %dma_start3A_260 = arith.constant 64 : i32
        %dma_start3A_261 = arith.constant 0 : i32
        %dma_start3A_262 = tpu.memref_slice %dma_start3A_259[%dma_start3A_260, %dma_start3A_261] : memref<128x128xf32, #tpu.memory_space<vmem>> -> memref<64x128xf32, #tpu.memory_space<vmem>>
        %dma_start3A_263 = tpu.memref_slice %arg8[%add3A_254] : memref<25600xi32, #tpu.memory_space<vmem>> -> memref<64xi32, #tpu.memory_space<vmem>>
        %dma_start3A_264 = arith.constant 0 : i32
        %dma_start3A_265 = arith.constant 0 : i32
        %dma_start3A_266 = tpu.memref_slice %arg4[%dma_start3A_264, %dma_start3A_265] : memref<100000x128xf32, #tpu.memory_space<hbm>> -> memref<100000x128xf32, #tpu.memory_space<hbm>>
        tpu.enqueue_indirect_dma source(%dma_start3A_266 : memref<100000x128xf32, #tpu.memory_space<hbm>>) target(%dma_start3A_262 : memref<64x128xf32, #tpu.memory_space<vmem>>) offsets(%dma_start3A_263 : memref<64xi32, #tpu.memory_space<vmem>>) semaphore(%arg13 : memref<!tpu.dma_semaphore, #tpu.memory_space<semaphore_mem>>)
      } else {
      }
      %scan3A_199 = arith.constant 0 : i32
      %scan3A_200 = arith.constant 0 : i32
      %scan3A_201 = arith.constant 128 : i32
      %scan3A_202 = arith.addi %scan3A_200, %scan3A_201 : i32
      %scan3A_203 = arith.constant 1 : i32
      %scan3A_204 = scf.for %scan3A_222 = %scan3A_200 to %scan3A_202 step %scan3A_203 iter_args(%scan3A_223 = %scan3A_199) -> (i32)  : i32 {
        %get3A = arith.constant 1 : i32
        %get3A_224 = arith.constant 0 : i32
        %get3A_225 = arith.constant 0 : i32
        %get3A_226 = tpu.memref_slice %arg10[%get3A, %get3A_224, %get3A_225] : memref<2x128x128xf32, #tpu.memory_space<vmem>> -> memref<1x128x128xf32, #tpu.memory_space<vmem>>
        %get3A_227 = tpu.memref_squeeze %get3A_226 : memref<1x128x128xf32, #tpu.memory_space<vmem>> -> memref<128x128xf32, #tpu.memory_space<vmem>>
        %get3A_228 = arith.index_cast %scan3A_222 : i32 to index
        %get3A_229 = arith.constant 0 : index
        %get3A_230 = tpu.vector_load %get3A_227[%get3A_228, %get3A_229] {strides = array<i32>} : memref<128x128xf32, #tpu.memory_space<vmem>>, vector<1x16xf32>,
        %get3A_231 = vector.shape_cast %get3A_230 : vector<1x16xf32> to vector<16xf32>
        %get3A_232 = arith.constant 1 : i32
        %get3A_233 = arith.constant 0 : i32
        %get3A_234 = arith.constant 0 : i32
        %get3A_235 = tpu.memref_slice %arg11[%get3A_232, %get3A_233, %get3A_234] : memref<2x128x128xf32, #tpu.memory_space<vmem>> -> memref<1x128x128xf32, #tpu.memory_space<vmem>>
        %get3A_236 = tpu.memref_squeeze %get3A_235 : memref<1x128x128xf32, #tpu.memory_space<vmem>> -> memref<128x128xf32, #tpu.memory_space<vmem>>
        %get3A_237 = arith.index_cast %scan3A_222 : i32 to index
        %get3A_238 = arith.constant 0 : index
        %get3A_239 = tpu.vector_load %get3A_236[%get3A_237, %get3A_238] {strides = array<i32>} : memref<128x128xf32, #tpu.memory_space<vmem>>, vector<1x16xf32>,
        %get3A_240 = vector.shape_cast %get3A_239 : vector<1x16xf32> to vector<16xf32>
        %add3A_241 = arith.addf %get3A_231, %get3A_240 : vector<16xf32>
        %swap3A = arith.constant 1 : i32
        %swap3A_242 = arith.constant 0 : i32
        %swap3A_243 = arith.constant 0 : i32
        %swap3A_244 = tpu.memref_slice %arg10[%swap3A, %swap3A_242, %swap3A_243] : memref<2x128x128xf32, #tpu.memory_space<vmem>> -> memref<1x128x128xf32, #tpu.memory_space<vmem>>
        %swap3A_245 = tpu.memref_squeeze %swap3A_244 : memref<1x128x128xf32, #tpu.memory_space<vmem>> -> memref<128x128xf32, #tpu.memory_space<vmem>>
        %swap3A_246 = arith.index_cast %scan3A_222 : i32 to index
        %swap3A_247 = arith.constant 0 : index
        %swap3A_248 = tpu.vector_load %swap3A_245[%swap3A_246, %swap3A_247] {strides = array<i32>} : memref<128x128xf32, #tpu.memory_space<vmem>>, vector<1x16xf32>,
        %swap3A_249 = vector.shape_cast %swap3A_248 : vector<1x16xf32> to vector<16xf32>
        %swap3A_250 = vector.shape_cast %add3A_241 : vector<16xf32> to vector<1x16xf32>
        tpu.vector_store %swap3A_245[%swap3A_246, %swap3A_247], %swap3A_250 {strides = array<i32>} : memref<128x128xf32, #tpu.memory_space<vmem>>, vector<1x16xf32>,
        %get3A_251 = arith.constant 1 : i32
        %get3A_252 = arith.constant 0 : i32
        %get3A_253 = arith.constant 0 : i32
        %get3A_254 = tpu.memref_slice %arg10[%get3A_251, %get3A_252, %get3A_253] : memref<2x128x128xf32, #tpu.memory_space<vmem>> -> memref<1x128x128xf32, #tpu.memory_space<vmem>>
        %get3A_255 = tpu.memref_squeeze %get3A_254 : memref<1x128x128xf32, #tpu.memory_space<vmem>> -> memref<128x128xf32, #tpu.memory_space<vmem>>
        %get3A_256 = arith.index_cast %scan3A_222 : i32 to index
        %get3A_257 = arith.constant 16 : index
        %get3A_258 = tpu.vector_load %get3A_255[%get3A_256, %get3A_257] {strides = array<i32>} : memref<128x128xf32, #tpu.memory_space<vmem>>, vector<1x16xf32>,
        %get3A_259 = vector.shape_cast %get3A_258 : vector<1x16xf32> to vector<16xf32>
        %get3A_260 = arith.constant 1 : i32
        %get3A_261 = arith.constant 0 : i32
        %get3A_262 = arith.constant 0 : i32
        %get3A_263 = tpu.memref_slice %arg11[%get3A_260, %get3A_261, %get3A_262] : memref<2x128x128xf32, #tpu.memory_space<vmem>> -> memref<1x128x128xf32, #tpu.memory_space<vmem>>
        %get3A_264 = tpu.memref_squeeze %get3A_263 : memref<1x128x128xf32, #tpu.memory_space<vmem>> -> memref<128x128xf32, #tpu.memory_space<vmem>>
        %get3A_265 = arith.index_cast %scan3A_222 : i32 to index
        %get3A_266 = arith.constant 16 : index
        %get3A_267 = tpu.vector_load %get3A_264[%get3A_265, %get3A_266] {strides = array<i32>} : memref<128x128xf32, #tpu.memory_space<vmem>>, vector<1x16xf32>,
        %get3A_268 = vector.shape_cast %get3A_267 : vector<1x16xf32> to vector<16xf32>
        %add3A_269 = arith.addf %get3A_259, %get3A_268 : vector<16xf32>
        %swap3A_270 = arith.constant 1 : i32
        %swap3A_271 = arith.constant 0 : i32
        %swap3A_272 = arith.constant 0 : i32
        %swap3A_273 = tpu.memref_slice %arg10[%swap3A_270, %swap3A_271, %swap3A_272] : memref<2x128x128xf32, #tpu.memory_space<vmem>> -> memref<1x128x128xf32, #tpu.memory_space<vmem>>
        %swap3A_274 = tpu.memref_squeeze %swap3A_273 : memref<1x128x128xf32, #tpu.memory_space<vmem>> -> memref<128x128xf32, #tpu.memory_space<vmem>>
        %swap3A_275 = arith.index_cast %scan3A_222 : i32 to index
        %swap3A_276 = arith.constant 16 : index
        %swap3A_277 = tpu.vector_load %swap3A_274[%swap3A_275, %swap3A_276] {strides = array<i32>} : memref<128x128xf32, #tpu.memory_space<vmem>>, vector<1x16xf32>,
        %swap3A_278 = vector.shape_cast %swap3A_277 : vector<1x16xf32> to vector<16xf32>
        %swap3A_279 = vector.shape_cast %add3A_269 : vector<16xf32> to vector<1x16xf32>
        tpu.vector_store %swap3A_274[%swap3A_275, %swap3A_276], %swap3A_279 {strides = array<i32>} : memref<128x128xf32, #tpu.memory_space<vmem>>, vector<1x16xf32>,
        %get3A_280 = arith.constant 1 : i32
        %get3A_281 = arith.constant 0 : i32
        %get3A_282 = arith.constant 0 : i32
        %get3A_283 = tpu.memref_slice %arg10[%get3A_280, %get3A_281, %get3A_282] : memref<2x128x128xf32, #tpu.memory_space<vmem>> -> memref<1x128x128xf32, #tpu.memory_space<vmem>>
        %get3A_284 = tpu.memref_squeeze %get3A_283 : memref<1x128x128xf32, #tpu.memory_space<vmem>> -> memref<128x128xf32, #tpu.memory_space<vmem>>
        %get3A_285 = arith.index_cast %scan3A_222 : i32 to index
        %get3A_286 = arith.constant 32 : index
        %get3A_287 = tpu.vector_load %get3A_284[%get3A_285, %get3A_286] {strides = array<i32>} : memref<128x128xf32, #tpu.memory_space<vmem>>, vector<1x16xf32>,
        %get3A_288 = vector.shape_cast %get3A_287 : vector<1x16xf32> to vector<16xf32>
        %get3A_289 = arith.constant 1 : i32
        %get3A_290 = arith.constant 0 : i32
        %get3A_291 = arith.constant 0 : i32
        %get3A_292 = tpu.memref_slice %arg11[%get3A_289, %get3A_290, %get3A_291] : memref<2x128x128xf32, #tpu.memory_space<vmem>> -> memref<1x128x128xf32, #tpu.memory_space<vmem>>
        %get3A_293 = tpu.memref_squeeze %get3A_292 : memref<1x128x128xf32, #tpu.memory_space<vmem>> -> memref<128x128xf32, #tpu.memory_space<vmem>>
        %get3A_294 = arith.index_cast %scan3A_222 : i32 to index
        %get3A_295 = arith.constant 32 : index
        %get3A_296 = tpu.vector_load %get3A_293[%get3A_294, %get3A_295] {strides = array<i32>} : memref<128x128xf32, #tpu.memory_space<vmem>>, vector<1x16xf32>,
        %get3A_297 = vector.shape_cast %get3A_296 : vector<1x16xf32> to vector<16xf32>
        %add3A_298 = arith.addf %get3A_288, %get3A_297 : vector<16xf32>
        %swap3A_299 = arith.constant 1 : i32
        %swap3A_300 = arith.constant 0 : i32
        %swap3A_301 = arith.constant 0 : i32
        %swap3A_302 = tpu.memref_slice %arg10[%swap3A_299, %swap3A_300, %swap3A_301] : memref<2x128x128xf32, #tpu.memory_space<vmem>> -> memref<1x128x128xf32, #tpu.memory_space<vmem>>
        %swap3A_303 = tpu.memref_squeeze %swap3A_302 : memref<1x128x128xf32, #tpu.memory_space<vmem>> -> memref<128x128xf32, #tpu.memory_space<vmem>>
        %swap3A_304 = arith.index_cast %scan3A_222 : i32 to index
        %swap3A_305 = arith.constant 32 : index
        %swap3A_306 = tpu.vector_load %swap3A_303[%swap3A_304, %swap3A_305] {strides = array<i32>} : memref<128x128xf32, #tpu.memory_space<vmem>>, vector<1x16xf32>,
        %swap3A_307 = vector.shape_cast %swap3A_306 : vector<1x16xf32> to vector<16xf32>
        %swap3A_308 = vector.shape_cast %add3A_298 : vector<16xf32> to vector<1x16xf32>
        tpu.vector_store %swap3A_303[%swap3A_304, %swap3A_305], %swap3A_308 {strides = array<i32>} : memref<128x128xf32, #tpu.memory_space<vmem>>, vector<1x16xf32>,
        %get3A_309 = arith.constant 1 : i32
        %get3A_310 = arith.constant 0 : i32
        %get3A_311 = arith.constant 0 : i32
        %get3A_312 = tpu.memref_slice %arg10[%get3A_309, %get3A_310, %get3A_311] : memref<2x128x128xf32, #tpu.memory_space<vmem>> -> memref<1x128x128xf32, #tpu.memory_space<vmem>>
        %get3A_313 = tpu.memref_squeeze %get3A_312 : memref<1x128x128xf32, #tpu.memory_space<vmem>> -> memref<128x128xf32, #tpu.memory_space<vmem>>
        %get3A_314 = arith.index_cast %scan3A_222 : i32 to index
        %get3A_315 = arith.constant 48 : index
        %get3A_316 = tpu.vector_load %get3A_313[%get3A_314, %get3A_315] {strides = array<i32>} : memref<128x128xf32, #tpu.memory_space<vmem>>, vector<1x16xf32>,
        %get3A_317 = vector.shape_cast %get3A_316 : vector<1x16xf32> to vector<16xf32>
        %get3A_318 = arith.constant 1 : i32
        %get3A_319 = arith.constant 0 : i32
        %get3A_320 = arith.constant 0 : i32
        %get3A_321 = tpu.memref_slice %arg11[%get3A_318, %get3A_319, %get3A_320] : memref<2x128x128xf32, #tpu.memory_space<vmem>> -> memref<1x128x128xf32, #tpu.memory_space<vmem>>
        %get3A_322 = tpu.memref_squeeze %get3A_321 : memref<1x128x128xf32, #tpu.memory_space<vmem>> -> memref<128x128xf32, #tpu.memory_space<vmem>>
        %get3A_323 = arith.index_cast %scan3A_222 : i32 to index
        %get3A_324 = arith.constant 48 : index
        %get3A_325 = tpu.vector_load %get3A_322[%get3A_323, %get3A_324] {strides = array<i32>} : memref<128x128xf32, #tpu.memory_space<vmem>>, vector<1x16xf32>,
        %get3A_326 = vector.shape_cast %get3A_325 : vector<1x16xf32> to vector<16xf32>
        %add3A_327 = arith.addf %get3A_317, %get3A_326 : vector<16xf32>
        %swap3A_328 = arith.constant 1 : i32
        %swap3A_329 = arith.constant 0 : i32
        %swap3A_330 = arith.constant 0 : i32
        %swap3A_331 = tpu.memref_slice %arg10[%swap3A_328, %swap3A_329, %swap3A_330] : memref<2x128x128xf32, #tpu.memory_space<vmem>> -> memref<1x128x128xf32, #tpu.memory_space<vmem>>
        %swap3A_332 = tpu.memref_squeeze %swap3A_331 : memref<1x128x128xf32, #tpu.memory_space<vmem>> -> memref<128x128xf32, #tpu.memory_space<vmem>>
        %swap3A_333 = arith.index_cast %scan3A_222 : i32 to index
        %swap3A_334 = arith.constant 48 : index
        %swap3A_335 = tpu.vector_load %swap3A_332[%swap3A_333, %swap3A_334] {strides = array<i32>} : memref<128x128xf32, #tpu.memory_space<vmem>>, vector<1x16xf32>,
        %swap3A_336 = vector.shape_cast %swap3A_335 : vector<1x16xf32> to vector<16xf32>
        %swap3A_337 = vector.shape_cast %add3A_327 : vector<16xf32> to vector<1x16xf32>
        tpu.vector_store %swap3A_332[%swap3A_333, %swap3A_334], %swap3A_337 {strides = array<i32>} : memref<128x128xf32, #tpu.memory_space<vmem>>, vector<1x16xf32>,
        %get3A_338 = arith.constant 1 : i32
        %get3A_339 = arith.constant 0 : i32
        %get3A_340 = arith.constant 0 : i32
        %get3A_341 = tpu.memref_slice %arg10[%get3A_338, %get3A_339, %get3A_340] : memref<2x128x128xf32, #tpu.memory_space<vmem>> -> memref<1x128x128xf32, #tpu.memory_space<vmem>>
        %get3A_342 = tpu.memref_squeeze %get3A_341 : memref<1x128x128xf32, #tpu.memory_space<vmem>> -> memref<128x128xf32, #tpu.memory_space<vmem>>
        %get3A_343 = arith.index_cast %scan3A_222 : i32 to index
        %get3A_344 = arith.constant 64 : index
        %get3A_345 = tpu.vector_load %get3A_342[%get3A_343, %get3A_344] {strides = array<i32>} : memref<128x128xf32, #tpu.memory_space<vmem>>, vector<1x16xf32>,
        %get3A_346 = vector.shape_cast %get3A_345 : vector<1x16xf32> to vector<16xf32>
        %get3A_347 = arith.constant 1 : i32
        %get3A_348 = arith.constant 0 : i32
        %get3A_349 = arith.constant 0 : i32
        %get3A_350 = tpu.memref_slice %arg11[%get3A_347, %get3A_348, %get3A_349] : memref<2x128x128xf32, #tpu.memory_space<vmem>> -> memref<1x128x128xf32, #tpu.memory_space<vmem>>
        %get3A_351 = tpu.memref_squeeze %get3A_350 : memref<1x128x128xf32, #tpu.memory_space<vmem>> -> memref<128x128xf32, #tpu.memory_space<vmem>>
        %get3A_352 = arith.index_cast %scan3A_222 : i32 to index
        %get3A_353 = arith.constant 64 : index
        %get3A_354 = tpu.vector_load %get3A_351[%get3A_352, %get3A_353] {strides = array<i32>} : memref<128x128xf32, #tpu.memory_space<vmem>>, vector<1x16xf32>,
        %get3A_355 = vector.shape_cast %get3A_354 : vector<1x16xf32> to vector<16xf32>
        %add3A_356 = arith.addf %get3A_346, %get3A_355 : vector<16xf32>
        %swap3A_357 = arith.constant 1 : i32
        %swap3A_358 = arith.constant 0 : i32
        %swap3A_359 = arith.constant 0 : i32
        %swap3A_360 = tpu.memref_slice %arg10[%swap3A_357, %swap3A_358, %swap3A_359] : memref<2x128x128xf32, #tpu.memory_space<vmem>> -> memref<1x128x128xf32, #tpu.memory_space<vmem>>
        %swap3A_361 = tpu.memref_squeeze %swap3A_360 : memref<1x128x128xf32, #tpu.memory_space<vmem>> -> memref<128x128xf32, #tpu.memory_space<vmem>>
        %swap3A_362 = arith.index_cast %scan3A_222 : i32 to index
        %swap3A_363 = arith.constant 64 : index
        %swap3A_364 = tpu.vector_load %swap3A_361[%swap3A_362, %swap3A_363] {strides = array<i32>} : memref<128x128xf32, #tpu.memory_space<vmem>>, vector<1x16xf32>,
        %swap3A_365 = vector.shape_cast %swap3A_364 : vector<1x16xf32> to vector<16xf32>
        %swap3A_366 = vector.shape_cast %add3A_356 : vector<16xf32> to vector<1x16xf32>
        tpu.vector_store %swap3A_361[%swap3A_362, %swap3A_363], %swap3A_366 {strides = array<i32>} : memref<128x128xf32, #tpu.memory_space<vmem>>, vector<1x16xf32>,
        %get3A_367 = arith.constant 1 : i32
        %get3A_368 = arith.constant 0 : i32
        %get3A_369 = arith.constant 0 : i32
        %get3A_370 = tpu.memref_slice %arg10[%get3A_367, %get3A_368, %get3A_369] : memref<2x128x128xf32, #tpu.memory_space<vmem>> -> memref<1x128x128xf32, #tpu.memory_space<vmem>>
        %get3A_371 = tpu.memref_squeeze %get3A_370 : memref<1x128x128xf32, #tpu.memory_space<vmem>> -> memref<128x128xf32, #tpu.memory_space<vmem>>
        %get3A_372 = arith.index_cast %scan3A_222 : i32 to index
        %get3A_373 = arith.constant 80 : index
        %get3A_374 = tpu.vector_load %get3A_371[%get3A_372, %get3A_373] {strides = array<i32>} : memref<128x128xf32, #tpu.memory_space<vmem>>, vector<1x16xf32>,
        %get3A_375 = vector.shape_cast %get3A_374 : vector<1x16xf32> to vector<16xf32>
        %get3A_376 = arith.constant 1 : i32
        %get3A_377 = arith.constant 0 : i32
        %get3A_378 = arith.constant 0 : i32
        %get3A_379 = tpu.memref_slice %arg11[%get3A_376, %get3A_377, %get3A_378] : memref<2x128x128xf32, #tpu.memory_space<vmem>> -> memref<1x128x128xf32, #tpu.memory_space<vmem>>
        %get3A_380 = tpu.memref_squeeze %get3A_379 : memref<1x128x128xf32, #tpu.memory_space<vmem>> -> memref<128x128xf32, #tpu.memory_space<vmem>>
        %get3A_381 = arith.index_cast %scan3A_222 : i32 to index
        %get3A_382 = arith.constant 80 : index
        %get3A_383 = tpu.vector_load %get3A_380[%get3A_381, %get3A_382] {strides = array<i32>} : memref<128x128xf32, #tpu.memory_space<vmem>>, vector<1x16xf32>,
        %get3A_384 = vector.shape_cast %get3A_383 : vector<1x16xf32> to vector<16xf32>
        %add3A_385 = arith.addf %get3A_375, %get3A_384 : vector<16xf32>
        %swap3A_386 = arith.constant 1 : i32
        %swap3A_387 = arith.constant 0 : i32
        %swap3A_388 = arith.constant 0 : i32
        %swap3A_389 = tpu.memref_slice %arg10[%swap3A_386, %swap3A_387, %swap3A_388] : memref<2x128x128xf32, #tpu.memory_space<vmem>> -> memref<1x128x128xf32, #tpu.memory_space<vmem>>
        %swap3A_390 = tpu.memref_squeeze %swap3A_389 : memref<1x128x128xf32, #tpu.memory_space<vmem>> -> memref<128x128xf32, #tpu.memory_space<vmem>>
        %swap3A_391 = arith.index_cast %scan3A_222 : i32 to index
        %swap3A_392 = arith.constant 80 : index
        %swap3A_393 = tpu.vector_load %swap3A_390[%swap3A_391, %swap3A_392] {strides = array<i32>} : memref<128x128xf32, #tpu.memory_space<vmem>>, vector<1x16xf32>,
        %swap3A_394 = vector.shape_cast %swap3A_393 : vector<1x16xf32> to vector<16xf32>
        %swap3A_395 = vector.shape_cast %add3A_385 : vector<16xf32> to vector<1x16xf32>
        tpu.vector_store %swap3A_390[%swap3A_391, %swap3A_392], %swap3A_395 {strides = array<i32>} : memref<128x128xf32, #tpu.memory_space<vmem>>, vector<1x16xf32>,
        %get3A_396 = arith.constant 1 : i32
        %get3A_397 = arith.constant 0 : i32
        %get3A_398 = arith.constant 0 : i32
        %get3A_399 = tpu.memref_slice %arg10[%get3A_396, %get3A_397, %get3A_398] : memref<2x128x128xf32, #tpu.memory_space<vmem>> -> memref<1x128x128xf32, #tpu.memory_space<vmem>>
        %get3A_400 = tpu.memref_squeeze %get3A_399 : memref<1x128x128xf32, #tpu.memory_space<vmem>> -> memref<128x128xf32, #tpu.memory_space<vmem>>
        %get3A_401 = arith.index_cast %scan3A_222 : i32 to index
        %get3A_402 = arith.constant 96 : index
        %get3A_403 = tpu.vector_load %get3A_400[%get3A_401, %get3A_402] {strides = array<i32>} : memref<128x128xf32, #tpu.memory_space<vmem>>, vector<1x16xf32>,
        %get3A_404 = vector.shape_cast %get3A_403 : vector<1x16xf32> to vector<16xf32>
        %get3A_405 = arith.constant 1 : i32
        %get3A_406 = arith.constant 0 : i32
        %get3A_407 = arith.constant 0 : i32
        %get3A_408 = tpu.memref_slice %arg11[%get3A_405, %get3A_406, %get3A_407] : memref<2x128x128xf32, #tpu.memory_space<vmem>> -> memref<1x128x128xf32, #tpu.memory_space<vmem>>
        %get3A_409 = tpu.memref_squeeze %get3A_408 : memref<1x128x128xf32, #tpu.memory_space<vmem>> -> memref<128x128xf32, #tpu.memory_space<vmem>>
        %get3A_410 = arith.index_cast %scan3A_222 : i32 to index
        %get3A_411 = arith.constant 96 : index
        %get3A_412 = tpu.vector_load %get3A_409[%get3A_410, %get3A_411] {strides = array<i32>} : memref<128x128xf32, #tpu.memory_space<vmem>>, vector<1x16xf32>,
        %get3A_413 = vector.shape_cast %get3A_412 : vector<1x16xf32> to vector<16xf32>
        %add3A_414 = arith.addf %get3A_404, %get3A_413 : vector<16xf32>
        %swap3A_415 = arith.constant 1 : i32
        %swap3A_416 = arith.constant 0 : i32
        %swap3A_417 = arith.constant 0 : i32
        %swap3A_418 = tpu.memref_slice %arg10[%swap3A_415, %swap3A_416, %swap3A_417] : memref<2x128x128xf32, #tpu.memory_space<vmem>> -> memref<1x128x128xf32, #tpu.memory_space<vmem>>
        %swap3A_419 = tpu.memref_squeeze %swap3A_418 : memref<1x128x128xf32, #tpu.memory_space<vmem>> -> memref<128x128xf32, #tpu.memory_space<vmem>>
        %swap3A_420 = arith.index_cast %scan3A_222 : i32 to index
        %swap3A_421 = arith.constant 96 : index
        %swap3A_422 = tpu.vector_load %swap3A_419[%swap3A_420, %swap3A_421] {strides = array<i32>} : memref<128x128xf32, #tpu.memory_space<vmem>>, vector<1x16xf32>,
        %swap3A_423 = vector.shape_cast %swap3A_422 : vector<1x16xf32> to vector<16xf32>
        %swap3A_424 = vector.shape_cast %add3A_414 : vector<16xf32> to vector<1x16xf32>
        tpu.vector_store %swap3A_419[%swap3A_420, %swap3A_421], %swap3A_424 {strides = array<i32>} : memref<128x128xf32, #tpu.memory_space<vmem>>, vector<1x16xf32>,
        %get3A_425 = arith.constant 1 : i32
        %get3A_426 = arith.constant 0 : i32
        %get3A_427 = arith.constant 0 : i32
        %get3A_428 = tpu.memref_slice %arg10[%get3A_425, %get3A_426, %get3A_427] : memref<2x128x128xf32, #tpu.memory_space<vmem>> -> memref<1x128x128xf32, #tpu.memory_space<vmem>>
        %get3A_429 = tpu.memref_squeeze %get3A_428 : memref<1x128x128xf32, #tpu.memory_space<vmem>> -> memref<128x128xf32, #tpu.memory_space<vmem>>
        %get3A_430 = arith.index_cast %scan3A_222 : i32 to index
        %get3A_431 = arith.constant 112 : index
        %get3A_432 = tpu.vector_load %get3A_429[%get3A_430, %get3A_431] {strides = array<i32>} : memref<128x128xf32, #tpu.memory_space<vmem>>, vector<1x16xf32>,
        %get3A_433 = vector.shape_cast %get3A_432 : vector<1x16xf32> to vector<16xf32>
        %get3A_434 = arith.constant 1 : i32
        %get3A_435 = arith.constant 0 : i32
        %get3A_436 = arith.constant 0 : i32
        %get3A_437 = tpu.memref_slice %arg11[%get3A_434, %get3A_435, %get3A_436] : memref<2x128x128xf32, #tpu.memory_space<vmem>> -> memref<1x128x128xf32, #tpu.memory_space<vmem>>
        %get3A_438 = tpu.memref_squeeze %get3A_437 : memref<1x128x128xf32, #tpu.memory_space<vmem>> -> memref<128x128xf32, #tpu.memory_space<vmem>>
        %get3A_439 = arith.index_cast %scan3A_222 : i32 to index
        %get3A_440 = arith.constant 112 : index
        %get3A_441 = tpu.vector_load %get3A_438[%get3A_439, %get3A_440] {strides = array<i32>} : memref<128x128xf32, #tpu.memory_space<vmem>>, vector<1x16xf32>,
        %get3A_442 = vector.shape_cast %get3A_441 : vector<1x16xf32> to vector<16xf32>
        %add3A_443 = arith.addf %get3A_433, %get3A_442 : vector<16xf32>
        %swap3A_444 = arith.constant 1 : i32
        %swap3A_445 = arith.constant 0 : i32
        %swap3A_446 = arith.constant 0 : i32
        %swap3A_447 = tpu.memref_slice %arg10[%swap3A_444, %swap3A_445, %swap3A_446] : memref<2x128x128xf32, #tpu.memory_space<vmem>> -> memref<1x128x128xf32, #tpu.memory_space<vmem>>
        %swap3A_448 = tpu.memref_squeeze %swap3A_447 : memref<1x128x128xf32, #tpu.memory_space<vmem>> -> memref<128x128xf32, #tpu.memory_space<vmem>>
        %swap3A_449 = arith.index_cast %scan3A_222 : i32 to index
        %swap3A_450 = arith.constant 112 : index
        %swap3A_451 = tpu.vector_load %swap3A_448[%swap3A_449, %swap3A_450] {strides = array<i32>} : memref<128x128xf32, #tpu.memory_space<vmem>>, vector<1x16xf32>,
        %swap3A_452 = vector.shape_cast %swap3A_451 : vector<1x16xf32> to vector<16xf32>
        %swap3A_453 = vector.shape_cast %add3A_443 : vector<16xf32> to vector<1x16xf32>
        tpu.vector_store %swap3A_448[%swap3A_449, %swap3A_450], %swap3A_453 {strides = array<i32>} : memref<128x128xf32, #tpu.memory_space<vmem>>, vector<1x16xf32>,
        %scan3A_454 = arith.constant 0 : i32
        scf.yield %scan3A_454 : i32
      }
      %scan3A_205 = arith.constant 128 : i32
      %mul3A_206 = arith.constant 128 : i32
      %mul3A_207 = arith.muli %add3A_143, %mul3A_206 : i32
      %add3A_208 = arith.addi %mul3A_2, %mul3A_207 : i32
      %dma_start3A_209 = arith.constant 1 : i32
      %dma_start3A_210 = arith.constant 0 : i32
      %dma_start3A_211 = arith.constant 0 : i32
      %dma_start3A_212 = tpu.memref_slice %arg10[%dma_start3A_209, %dma_start3A_210, %dma_start3A_211] : memref<2x128x128xf32, #tpu.memory_space<vmem>> -> memref<1x128x128xf32, #tpu.memory_space<vmem>>
      %dma_start3A_213 = tpu.memref_squeeze %dma_start3A_212 : memref<1x128x128xf32, #tpu.memory_space<vmem>> -> memref<128x128xf32, #tpu.memory_space<vmem>>
      %dma_start3A_214 = arith.constant 0 : i32
      %dma_start3A_215 = tpu.memref_slice %arg6[%add3A_208, %dma_start3A_214] : memref<819200x128xf32, #tpu.memory_space<hbm>> -> memref<128x128xf32, #tpu.memory_space<hbm>>
      %dma_start3A_216 = arith.constant 0 : i32
      %dma_start3A_217 = tpu.memref_slice %arg6[%add3A_208, %dma_start3A_216] : memref<819200x128xf32, #tpu.memory_space<hbm>> -> memref<128x128xf32, #tpu.memory_space<hbm>>
      %dma_start3A_218 = arith.constant 0 : i32
      %dma_start3A_219 = arith.constant 0 : i32
      %dma_start3A_220 = tpu.memref_slice %arg10[%dma_start3A_209, %dma_start3A_218, %dma_start3A_219] : memref<2x128x128xf32, #tpu.memory_space<vmem>> -> memref<1x128x128xf32, #tpu.memory_space<vmem>>
      %dma_start3A_221 = tpu.memref_squeeze %dma_start3A_220 : memref<1x128x128xf32, #tpu.memory_space<vmem>> -> memref<128x128xf32, #tpu.memory_space<vmem>>
      tpu.enqueue_dma source(%dma_start3A_221 : memref<128x128xf32, #tpu.memory_space<vmem>>) target(%dma_start3A_217 : memref<128x128xf32, #tpu.memory_space<hbm>>) target_semaphore(%arg19 : memref<!tpu.dma_semaphore, #tpu.memory_space<semaphore_mem>>)
    }
    %scan3A_44 = arith.constant 100 : i32
    %add3A_45 = arith.constant 25472 : i32
    %add3A_46 = arith.addi %mul3A_2, %add3A_45 : i32
    %dma_wait3A = arith.constant 1 : i32
    %dma_wait3A_47 = arith.constant 0 : i32
    %dma_wait3A_48 = arith.constant 0 : i32
    %dma_wait3A_49 = tpu.memref_slice %arg10[%dma_wait3A, %dma_wait3A_47, %dma_wait3A_48] : memref<2x128x128xf32, #tpu.memory_space<vmem>> -> memref<1x128x128xf32, #tpu.memory_space<vmem>>
    %dma_wait3A_50 = tpu.memref_squeeze %dma_wait3A_49 : memref<1x128x128xf32, #tpu.memory_space<vmem>> -> memref<128x128xf32, #tpu.memory_space<vmem>>
    %dma_wait3A_51 = arith.constant 0 : i32
    %dma_wait3A_52 = tpu.memref_slice %arg6[%add3A_46, %dma_wait3A_51] : memref<819200x128xf32, #tpu.memory_space<hbm>> -> memref<128x128xf32, #tpu.memory_space<hbm>>
    %dma_wait3A_53 = arith.constant 0 : i32
    %dma_wait3A_54 = tpu.memref_slice %arg6[%add3A_46, %dma_wait3A_53] : memref<819200x128xf32, #tpu.memory_space<hbm>> -> memref<128x128xf32, #tpu.memory_space<hbm>>
    %dma_wait3A_55 = arith.constant 0 : i32
    %dma_wait3A_56 = arith.constant 0 : i32
    %dma_wait3A_57 = tpu.memref_slice %arg10[%dma_wait3A, %dma_wait3A_55, %dma_wait3A_56] : memref<2x128x128xf32, #tpu.memory_space<vmem>> -> memref<1x128x128xf32, #tpu.memory_space<vmem>>
    %dma_wait3A_58 = tpu.memref_squeeze %dma_wait3A_57 : memref<1x128x128xf32, #tpu.memory_space<vmem>> -> memref<128x128xf32, #tpu.memory_space<vmem>>
    tpu.wait_dma2 semaphore(%arg19 : memref<!tpu.dma_semaphore, #tpu.memory_space<semaphore_mem>>) src(%dma_wait3A_58 : memref<128x128xf32, #tpu.memory_space<vmem>>) dst(%dma_wait3A_54 : memref<128x128xf32, #tpu.memory_space<hbm>>)
    return
  }
}

</mosaic_0001>

<sc_bundles>
// kernel: kernel.3.cloned.1.call-start
scs
__scs_entry_jumppad:
0x0: {  	(pc) =	sbr.rel $0x88, $3  }
0x1: {  	(tag) =	ssettag $0x0;
	lr =	simm.s32 $0x1  }
0x2: {  	[smem:$0x3F9D] =	sst lr;
	_ =	strace $0xD0000000  }
0x3: {  	_ = 	snop  }
0x4: {  	_ = 	snop  }
0x5: {  	_ = 	snop  }
0x6: {  	_ = 	snop  }
0x7: {  	_ = 	snop  }
__scs_overlays_trampoline_lowered:
0x8: {  	[smem:$0x3FAC] =	sst s0  }
0x9: {  	[smem:$0x3FAD] =	sst s1  }
0xa: {  	[smem:$0x3FAE] =	sst s2  }
0xb: {  	[smem:$0x3FAF] =	sst s3  }
0xc: {  	[smem:$0x3FB0] =	sst s4  }
0xd: {  	[smem:$0x3FB1] =	sst s5  }
0xe: {  	[smem:$0x3FB2] =	sst s6  }
0xf: {  	[smem:$0x3FB3] =	sst s7  }
0x10: {  	[smem:$0x3FB4] =	sst s8  }
0x11: {  	[smem:$0x3FB5] =	sst s9;
	s0 =	simm.s32 @!p0 $0x0  }
0x12: {  	s1 =	sld [smem:$0x3F9B];
	s0 =	simm.s32 @p0 $0x1  }
0x13: {  	[smem:$0x3FB6] =	sst s0;
	s0 =	simm.s32 @!p1 $0x0  }
0x14: {  	s2 =	sld [smem:$0x3F9A];
	s0 =	simm.s32 @p1 $0x1  }
0x15: {  	[smem:$0x3FB7] =	sst s0;
	s0 =	simm.s32 @!p2 $0x0  }
0x16: {  	s3 =	sld [smem:$0x3FDB];
	s0 =	simm.s32 @p2 $0x1  }
0x17: {  	s4 =	simm.s32 $0x1BF5;
	[smem:$0x3FB9] =	sst s0  }
0x18: {  	s0 =	sld [smem:$0x3F9C];
	_ =	swait.ge [sflag:s4], $0x0  }
0x19: {  	s7 =	sld [smem:$0x3F9D]  }
0x1a: {  	s8 =	sadd.s32 $0xFFFFE003, lr  }
0x1b: {  	s9 =	sadd.s32 $0xFFFFFEF7, lr;
	s5 =	simm.s32 $0xFFFFFFFF;
	p2 =	slt.u32 s8, $0xFFFFF086  }
0x1c: {  	p1 =	slt.u32 s9, $0xF7A;
	s5 =	simm.s32 @!p2 $0x0  }
0x1d: {  	s5 =	simm.s32 @p1 $0x1;
	p0 =	seq.s32 s7, s2  }
0x1e: {  	s7 =	smul.u32 @!p0 $0xF7A, s2;
	p2 =	seq.s32 @!p0 s5, $0x0  }
0x1f: {  	s9 =	smul.u32 $0xF7A, s1;
	s8 =	simm.s32 @!p0 $0x1BF5;
	p2 =	por !p2, p0  }
0x20: {  	[sflag:s8] =	ssyncset.s32 @!p0 $0xFFFFF086;
	s6 =	sadd.s32 @!p0 s3, s7;
	s7 =	simm.s32 @!p0 $0x108  }
0x21: {  	s3 =	sadd.s32 s3, s9;
	s6 =	sadd.s32 @!p0 $0x88, s6;
	s7 =	simm.s32 @p2 $0x1082  }
0x22: {  	[simem:s7], [sflag:s8] =	dma.local @!p0 [hbm:s6], $0xF7A  }
0x23: {  	s9 =	sor.u32 $0xD0000000, s2;
	s6 =	simm.s32 $0x108;
	_ =	swait.ge @!p0 [sflag:s8], $0x0  }
0x24: {  	s3 =	sadd.s32 $0x88, s3;
	s6 =	simm.s32 @!p1 $0x1082;
	[sflag:s4] =	ssyncset.s32 $0xFFFFF086  }
0x25: {  	[simem:s6], [sflag:s4] =	dma.local [hbm:s3], $0xF7A  }
0x26: {  	[smem:$0x3F9D] =	sst s1;
	(tag) =	ssettag s2;
	_ =	strace s9  }
0x27: {  	s1 =	sld [smem:$0x3FAD]  }
0x28: {  	s2 =	sld [smem:$0x3FAE]  }
0x29: {  	s4 =	sld [smem:$0x3FB0]  }
0x2a: {  	p0 =	seq.s32 s5, $0x0;
	s5 =	sld [smem:$0x3FB1]  }
0x2b: {  	s6 =	sld [smem:$0x3FB2]  }
0x2c: {  	s7 =	sld [smem:$0x3FB3]  }
0x2d: {  	s3 =	simm.s32 $0x108;
	s8 =	sld [smem:$0x3FB4]  }
0x2e: {  	s3 =	simm.s32 @!p0 $0x1082;
	s9 =	sld [smem:$0x3FB5]  }
0x2f: {  	lr =	sadd.s32 s0, s3;
	s0 =	sld [smem:$0x3FAC]  }
0x30: {  	s3 =	sld [smem:$0x3FAF]  }
0x31: {  	[smem:$0x3FB8] =	sst s10  }
0x32: {  	s10 =	sld [smem:$0x3FB6];
	_ =	sdelay $0x3  }
0x33: {  	p0 =	seq.s32 s10, $0x1;
	s10 =	sld [smem:$0x3FB8];
	_ =	sdelay $0x3  }
0x34: {  	[smem:$0x3FB8] =	sst s10  }
0x35: {  	s10 =	sld [smem:$0x3FB7];
	_ =	sdelay $0x3  }
0x36: {  	p1 =	seq.s32 s10, $0x1;
	s10 =	sld [smem:$0x3FB8];
	_ =	sdelay $0x3  }
0x37: {  	[smem:$0x3FB8] =	sst s10  }
0x38: {  	s10 =	sld [smem:$0x3FB9]  }
0x39: {  	_ = 	snop;
	(pc) =	sbr.ind lr, $3  }
0x3a: {  	_ = 	snop  }
0x3b: {  	_ = 	snop  }
0x3c: {  	p2 =	seq.s32 s10, $0x1;
	s10 =	sld [smem:$0x3FB8]  }
0x3d: {  	_ =	shalt  }
0x3e: {  	_ =	shalt  }
0x3f: {  	_ =	shalt  }
0x40: {  	_ =	shalt  }
0x41: {  	_ =	shalt  }
0x42: {  	_ =	shalt  }
0x43: {  	_ =	shalt  }
0x44: {  	_ =	shalt  }
0x45: {  	_ =	shalt  }
0x46: {  	_ =	shalt  }
0x47: {  	_ =	shalt  }
0x48: {  	_ =	shalt  }
0x49: {  	_ =	shalt  }
0x4a: {  	_ =	shalt  }
0x4b: {  	_ =	shalt  }
0x4c: {  	_ =	shalt  }
0x4d: {  	_ =	shalt  }
0x4e: {  	_ =	shalt  }
0x4f: {  	_ =	shalt  }
0x50: {  	_ =	shalt  }
0x51: {  	_ =	shalt  }
0x52: {  	_ =	shalt  }
0x53: {  	_ =	shalt  }
0x54: {  	_ =	shalt  }
0x55: {  	_ =	shalt  }
0x56: {  	_ =	shalt  }
0x57: {  	_ =	shalt  }
0x58: {  	_ =	shalt  }
0x59: {  	_ =	shalt  }
0x5a: {  	_ =	shalt  }
0x5b: {  	_ =	shalt  }
0x5c: {  	_ =	shalt  }
0x5d: {  	_ =	shalt  }
0x5e: {  	_ =	shalt  }
0x5f: {  	_ =	shalt  }
0x60: {  	_ =	shalt  }
0x61: {  	_ =	shalt  }
0x62: {  	_ =	shalt  }
0x63: {  	_ =	shalt  }
0x64: {  	_ =	shalt  }
0x65: {  	_ =	shalt  }
0x66: {  	_ =	shalt  }
0x67: {  	_ =	shalt  }
0x68: {  	_ =	shalt  }
0x69: {  	_ =	shalt  }
0x6a: {  	_ =	shalt  }
0x6b: {  	_ =	shalt  }
0x6c: {  	_ =	shalt  }
0x6d: {  	_ =	shalt  }
0x6e: {  	_ =	shalt  }
0x6f: {  	_ =	shalt  }
0x70: {  	_ =	shalt  }
0x71: {  	_ =	shalt  }
0x72: {  	_ =	shalt  }
0x73: {  	_ =	shalt  }
0x74: {  	_ =	shalt  }
0x75: {  	_ =	shalt  }
0x76: {  	_ =	shalt  }
0x77: {  	_ =	shalt  }
0x78: {  	_ =	shalt  }
0x79: {  	_ =	shalt  }
0x7a: {  	_ =	shalt  }
0x7b: {  	_ =	shalt  }
0x7c: {  	_ =	shalt  }
0x7d: {  	_ =	shalt  }
0x7e: {  	_ =	shalt  }
0x7f: {  	_ =	shalt  }
0x80: {  	_ =	shalt  }
0x81: {  	_ =	shalt  }
0x82: {  	_ =	shalt  }
0x83: {  	_ =	shalt  }
0x84: {  	_ =	shalt  }
0x85: {  	_ =	shalt  }
0x86: {  	_ =	shalt  }
0x87: {  	_ =	shalt  }
.Lfunc_end0:
.L_simem_size_0:
called_computation_lowered:
.L_overlay_start_0:
0x88: {  	s2 =	sld [smem:$0x3FD9]  }
0x89: {  	s3 =	sld [smem:$0x3FFE];
	_ =	sdelay $0x1  }
0x8a: {  	s1 =	srdreg.scid  }
0x8b: {  	s0 =	sand.u32 $0x1, s1  }
0x8c: {  	s17 =	sshll.u32 s0, $0xA;
	s2 =	sadd.s32 s3, s2  }
0x8d: {  	s2 =	sadd.s32 s2, s17  }
0x8e: {  	[smem:$0x3FC4] =	sst s2  }
0x8f: {  	_ = 	snop  }
0x90: {  	s2 =	sld [smem:$0x3FC7]  }
0x91: {  	s18 =	sld [smem:$0x3FC6]  }
0x92: {  	s4 =	sld [smem:$0x3FD0];
	(tm) =	ssettm $0x1  }
0x93: {  	s5 =	sld [smem:$0x3FFB];
	_ =	sdelay $0x3  }
0x94: {  	_ =	strace s5  }
0x95: {  	s5 =	sld [smem:$0x3FFC];
	_ =	sdelay $0x3  }
0x96: {  	_ =	strace s5  }
0x97: {  	s5 =	sld [smem:$0x3FFD];
	_ =	sdelay $0x3  }
0x98: {  	_ =	strace s5  }
0x99: {  	_ =	strace $0x8FFFFFFF  }
0x9a: {  	s19 =	sld [smem:$0x3FDB];
	_ =	sdelay $0x1  }
0x9b: {  	s6 =	simm.s32 $_scs_section_size  }
0x9c: {  	s7 =	simm.s32 $_size__tile_overlayer_lowered;
	s8 =	simm.s32 $_tile_overlayer_lowered  }
0x9d: {  	s22 =	simm.s32 $0x1BFF;
	s21 =	sshll.u32 s8, $0x1;
	s5 =	sadd.s32 s6, s19  }
0x9e: {  	s9 =	simm.s32 $0x0;
	s20 =	sshll.u32 s7, $0x1;
	s7 =	sadd.s32 s21, s5  }
0x9f: {  	[timem:s9], [sflag:s22] =	dma.local [hbm:s7], s20  }
0xa0: {  	_ =	swait.ge [sflag:s22], s20  }
0xa1: {  	s6 =	ssub.s32 $0x0, s20;
	[sflag:s22] =	ssyncset.done $0x0  }
0xa2: {  	[sflag:s22] =	ssyncadd.s32 s6;
	_ =	sdelay $0x1  }
0xa3: {  	s23 =	simm.s32 $0x1B8B  }
0xa4: {  	_ =	swait.ge [sflag:s23], $0x1  }
0xa5: {  	[sflag:s23] =	ssyncset.done $0x0  }
0xa6: {  	s25 =	simm.s32 $0x1B8E;
	s24 =	sld [smem:$0x3FFE];
	[sflag:s23] =	ssyncadd.s32 $0xFFFFFFFF  }
0xa7: {  	s26 =	simm.s32 $execute0_lowered;
	[smem:$0x3FD2] =	sst s25  }
0xa8: {  	s7 =	sshll.u32 s26, $0x1;
	_ =	strace $0x80000046;
	[dreg:$0x1] =	wrdreg $0xFFFFFFFF  }
0xa9: {  	s28 =	simm.s32 $_size_execute0_lowered;
	s5 =	sadd.s32 s5, s7;
	[dreg:$0x0] =	wrdreg $0x0  }
0xaa: {  	s7 =	sshll.u32 s28, $0x1;
	[dreg:$0x2] =	wrdreg s5  }
0xab: {  	[dreg:$0x3] =	wrdreg s7  }
0xac: {  	[dreg:$0x4] =	wrdreg $0xC0  }
0xad: {  	_ =	task [dreg:s9], $0x5FFFF  }
0xae: {  	[dreg:$0x1] =	wrdreg $0xFFFFFFFF  }
0xaf: {  	[dreg:$0x0] =	wrdreg $0x60  }
0xb0: {  	[dreg:$0x2] =	wrdreg s24  }
0xb1: {  	[dreg:$0x3] =	wrdreg s2  }
0xb2: {  	[dreg:$0x4] =	wrdreg s18  }
0xb3: {  	[dreg:$0x5] =	wrdreg s4  }
0xb4: {  	[dreg:$0x6] =	wrdreg $0x0  }
0xb5: {  	[dreg:$0x7] =	wrdreg $0x9  }
0xb6: {  	_ =	task.clear_ibuf [dreg:s9], $0x8FFFF;
	_ =	strace $0x90000046  }
0xb7: {  	s29 =	simm.s32 $0x9;
	_ =	strace $0x80000048  }
0xb8: {  	_ =	swait.ge [sflag:s29], $0x1  }
0xb9: {  	[sflag:s29] =	ssyncadd.s32 $0xFFFFFFFF  }
0xba: {  	_ =	strace $0x90000048  }
0xbb: {  	_ =	sfence  }
0xbc: {  	s30 =	sld [smem:$0x0];
	_ =	sdelay $0x2  }
0xbd: {  	s31 =	sshll.u32 s1, $0xD;
	s1 =	sshrl.u32 s1, $0x2  }
0xbe: {  	s3 =	sand.u32 $0x4000, s31;
	s1 =	sadd.s32 s1, s30  }
0xbf: {  	s0 =	sor.u32 s3, s0;
	s1 =	sshll.u32 s1, $0x11  }
0xc0: {  	s0 =	sor.u32 s1, s0  }
0xc1: {  	s0 =	sadd.s32 $0x8F2B, s0  }
0xc2: {  	[sflag:s0] =	ssyncadd.remote.s32 $0x1  }
0xc3: {  	_ =	sfence.sel $0xFFFF  }
0xc4: {  	[dreg:$0x0] =	wrdreg $0xFFFFFFFF;
	(pc) =	sbr.abs _section_cstart, $3  }
0xc5: {  	[dreg:$0x1] =	wrdreg $0xFFFFFFFF  }
0xc6: {  	_ =	task.clear_ibuf [dreg:s9], $0x2FFFF;
	_ =	strace $0x9FFFFFFF  }
0xc7: {  	(tm) =	ssettm $0x7FFFFFFF  }
tec
execute0_lowered:
.L_overlay_start_1:
0x0: {  	(tag) =	ssettag $0x1  }
0x1: {  	s1 =	rddreg [dreg:$0x0]  }
0x2: {  	s0 =	rddreg [dreg:$0x1]  }
0x3: {  	s2 =	rddreg [dreg:$0x3];
	s3 =	srdreg.scid  }
0x4: {  	s8 =	stileid.u32;
	s4 =	rddreg [dreg:$0x4];
	s11 =	simm.s32 $0x1000  }
0x5: {  	s12 =	simm.s32 $0x9;
	s13 =	simm.s32 $0x7400;
	s14 =	simm.s32 $0x80  }
0x6: {  	s16 =	simm.s32 $0x40;
	s17 =	simm.s32 $0xD800;
	s20 =	simm.s32 $0x1  }
0x7: {  	s21 =	simm.s32 $0x2;
	s22 =	simm.s32 $0x5;
	s23 =	simm.s32 $0x19800  }
0x8: {  	s24 =	simm.s32 $0x11800;
	s25 =	simm.s32 $0x13800;
	s26 =	simm.s32 $0x3  }
0x9: {  	s28 =	simm.s32 $0x4;
	s3 =	sand.u32 $0x1, s3;
	s5 =	sshll.u32 s8, $0x1  }
0xa: {  	s29 =	simm.s32 $0x6;
	s30 =	simm.s32 $0x7;
	s9 =	sor.u32 s3, s5  }
0xb: {  	s31 =	simm.s32 $0x8;
	p0 =	sne.s32 s8, $0x0;
	s6 =	smul.u32 $0xC80, s9  }
0xc: {  	s5 =	simm.s32 $0x0;
	s3 =	ssub.s32 $0x2, s3;
	s10 =	sshrl.u32 @!p0 s4, $0x3  }
0xd: {  	[smem:$0x7FF] =	sst s5;
	s7 =	sshrl.u32 s3, $0x1;
	s1 =	sadd.s32 s6, s1  }
0xe: {  	s8 =	smul.u32 $0x320000, s9;
	_ =	strace $0x80000047;
	s6 =	sadd.s32 $0x600, s1  }
0xf: {  	s3 =	ssub.s32 s3, s7;
	s1 =	sadd.s32 $0x19600, s1;
	[dreg:$0x6] =	wrdreg s6  }
0x10: {  	s9 =	smax.u32 s3, $0x1;
	s3 =	simm.s32 $0x0;
	[dreg:$0x7] =	wrdreg s1  }
.LBB2_1:
0x11: {  	s1 =	simm.s32 @!p0 $0x1C09;
	s6 =	rddreg [dreg:$0x2]  }
0x12: {  	[spmem:s10], [sflag:s1] =	dma.local @!p0 [hbm:s6], $0x2000  }
0x13: {  	s1 =	simm.s32 @!p0 $0x9  }
0x14: {  	_ =	swait.ge @!p0 [sflag:s1], $0x2000  }
0x15: {  	[sflag:s1] =	ssyncset.done @!p0 $0x0  }
0x16: {  	s6 =	rddreg [dreg:$0x6];
	[sflag:s1] =	ssyncadd.s32 @!p0 $0xFFFFE000  }
0x17: {  	[tilespmem:s11], [sflag:$0x9] =	stream.linear.gather [hbm4b:s6+s5], $0x6400, $0x38;
	[tilespmem:$0x1D800] =	vst v63  }
0x18: {  	_ =	swait.ge [sflag:s12], $0x6400  }
0x19: {  	[sflag:s12] =	ssyncset.done $0x0  }
0x1a: {  	s7 =	rddreg [dreg:$0x7];
	[sflag:s12] =	ssyncadd.s32 $0xFFFF9C00  }
0x1b: {  	[tilespmem:s13], [sflag:$0x9] =	stream.linear.gather [hbm4b:s7+s5], $0x6400, $0x38;
	[tilespmem:$0x1D800] =	vst v63  }
0x1c: {  	_ =	swait.ge [sflag:s12], $0x6400  }
0x1d: {  	[sflag:s12] =	ssyncset.done $0x0  }
0x1e: {  	[sflag:s12] =	ssyncadd.s32 $0xFFFF9C00  }
0x1f: {  	s15 =	simm.s32 $0x15800;
	[bflag:$0x0] =	sbarrier.arrive $0xFFFF  }
0x20: {  	[tilespmem:s15], [sflag:$0x5] =	stream.indirect.gather [spmem:s4], $0x80, s13, s14, $0xb8;
	[tilespmem:$0x1D800] =	vst v63  }
0x21: {  	_ = 	snop  }
0x22: {  	[tilespmem:s17], [sflag:$0x1] =	stream.indirect.gather [hbm4b:s0+s16], $0x80, s11, s16, $0xb8;
	[tilespmem:$0x1D800] =	vst v63  }
0x23: {  	s18 =	simm.s32 $0x1040;
	s19 =	simm.s32 $0xF800;
	s1 =	simm.s32 $0x0  }
0x24: {  	[tilespmem:s19], [sflag:$0x2] =	stream.indirect.gather [hbm4b:s0+s16], $0x80, s18, s16, $0xb8;
	[tilespmem:$0x1D800] =	vst v63  }
.LBB2_2:
0x25: {  	_ =	swait.ge [sflag:s20], $0x2000  }
0x26: {  	[sflag:s20] =	ssyncset.done $0x0  }
0x27: {  	[sflag:s20] =	ssyncadd.s32 $0xFFFFE000  }
0x28: {  	_ =	swait.ge [sflag:s21], $0x2000  }
0x29: {  	[sflag:s21] =	ssyncset.done $0x0  }
0x2a: {  	[sflag:s21] =	ssyncadd.s32 $0xFFFFE000  }
0x2b: {  	_ =	swait.ge [sflag:s22], $0x4000  }
0x2c: {  	s15 =	sshll.u32 s1, $0x1;
	p1 =	seq.s32 s1, $0x0;
	[sflag:s22] =	ssyncset.done $0x0  }
0x2d: {  	s18 =	simm.s32 @!p1 $0x8;
	s15 =	sor.u32 $0x1, s15;
	[sflag:s22] =	ssyncadd.s32 $0xFFFFC000  }
0x2e: {  	s19 =	sshll.u32 s15, $0x7;
	_ =	swait.ge @!p1 [sflag:s18], $0x4000  }
0x2f: {  	s19 =	sand.u32 $0x3FFFFF80, s19;
	[sflag:s18] =	ssyncset.done @!p1 $0x0  }
0x30: {  	s6 =	sadd.s32 $0x7400, s19;
	[sflag:s18] =	ssyncadd.s32 @!p1 $0xFFFFC000  }
0x31: {  	[tilespmem:s23], [sflag:$0x6] =	stream.indirect.gather [spmem:s4], $0x80, s6, s14, $0xb8;
	[tilespmem:$0x1D800] =	vst v63  }
0x32: {  	s7 =	sadd.s32 $0x1000, s19  }
0x33: {  	[tilespmem:s24], [sflag:$0x3] =	stream.indirect.gather [hbm4b:s0+s16], $0x80, s7, s16, $0xb8;
	[tilespmem:$0x1D800] =	vst v63  }
0x34: {  	s19 =	sadd.s32 $0x1040, s19;
	s18 =	simm.s32 $0x0  }
0x35: {  	[tilespmem:s25], [sflag:$0x4] =	stream.indirect.gather [hbm4b:s0+s16], $0x80, s19, s16, $0xb8;
	[tilespmem:$0x1D800] =	vst v63  }
0x36: {  	v7 =	vld [tilespmem:s18+$0x15800]  }
0x37: {  	v11 =	vld [tilespmem:s18+$0x15810]  }
0x38: {  	v5 =	vld [tilespmem:s18+$0x15820]  }
0x39: {  	v4 =	vld [tilespmem:s18+$0x15830]  }
0x3a: {  	v3 =	vld [tilespmem:s18+$0x15840]  }
0x3b: {  	v2 =	vld [tilespmem:s18+$0x15850]  }
0x3c: {  	v1 =	vld [tilespmem:s18+$0x15860]  }
0x3d: {  	v0 =	vld [tilespmem:s18+$0x15870]  }
0x3e: {  	v12 =	vld [tilespmem:s18+$0xD800]  }
0x3f: {  	v13 =	vld [tilespmem:s18+$0xD810]  }
0x40: {  	v10 =	vld [tilespmem:s18+$0xD820]  }
0x41: {  	v9 =	vld [tilespmem:s18+$0xD830]  }
0x42: {  	v8 =	vld [tilespmem:s18+$0xD840]  }
0x43: {  	v6 =	vld [tilespmem:s18+$0xD850];
	v12 =	vadd.f32 v7, v12  }
0x44: {  	s19 =	simm.s32 $0x200;
	v11 =	vadd.f32 v11, v13;
	v7 =	vld [tilespmem:s18+$0xD860]  }
.LBB2_3:
0x45: {  	s6 =	sshra.s32 s19, $0x2;
	p1 =	sne.s32 s19, $0xFE00;
	[tilespmem:s18+$0xD800] =	vst v12;
	v5 =	vadd.f32 v5, v10;
	v10 =	vld [tilespmem:s18+$0xD870]  }
0x46: {  	v12 =	vld [tilespmem:s6+$0x15800];
	[tilespmem:s18+$0xD810] =	vst v11;
	v4 =	vadd.f32 v4, v9  }
0x47: {  	v11 =	vld [tilespmem:s6+$0x15810];
	[tilespmem:s18+$0xD820] =	vst v5;
	v3 =	vadd.f32 v3, v8  }
0x48: {  	v5 =	vld [tilespmem:s6+$0x15820];
	[tilespmem:s18+$0xD830] =	vst v4;
	v2 =	vadd.f32 v2, v6  }
0x49: {  	v4 =	vld [tilespmem:s6+$0x15830];
	[tilespmem:s18+$0xD840] =	vst v3;
	v1 =	vadd.f32 v1, v7  }
0x4a: {  	v3 =	vld [tilespmem:s6+$0x15840];
	[tilespmem:s18+$0xD850] =	vst v2;
	v0 =	vadd.f32 v0, v10  }
0x4b: {  	v2 =	vld [tilespmem:s6+$0x15850];
	[tilespmem:s18+$0xD860] =	vst v1  }
0x4c: {  	v1 =	vld [tilespmem:s6+$0x15860];
	[tilespmem:s18+$0xD870] =	vst v0;
	s18 =	smov.u32 s6  }
0x4d: {  	v0 =	vld [tilespmem:s18+$0x15870]  }
0x4e: {  	v6 =	vld [tilespmem:s18+$0xD800]  }
0x4f: {  	v7 =	vld [tilespmem:s18+$0xD810]  }
.Ltmp0:
0x50: {  	v10 =	vld [tilespmem:s18+$0xD820];
	(pc) =	sbr.rel @p1 .LBB2_3-.Ltmp0, $4  }
0x51: {  	v9 =	vld [tilespmem:s18+$0xD830]  }
0x52: {  	v8 =	vld [tilespmem:s18+$0xD840]  }
0x53: {  	v12 =	vadd.f32 v12, v6;
	v6 =	vld [tilespmem:s18+$0xD850]  }
0x54: {  	s19 =	sadd.s32 $0x200, s19;
	v11 =	vadd.f32 v11, v7;
	v7 =	vld [tilespmem:s18+$0xD860]  }
0x55: {  	[tilespmem:s18+$0xD800] =	vst v12;
	v5 =	vadd.f32 v5, v10;
	v10 =	vld [tilespmem:s18+$0xD870]  }
0x56: {  	[tilespmem:s18+$0xD810] =	vst v11;
	v4 =	vadd.f32 v4, v9  }
0x57: {  	[tilespmem:s18+$0xD820] =	vst v5;
	v3 =	vadd.f32 v3, v8  }
0x58: {  	[tilespmem:s18+$0xD830] =	vst v4;
	v2 =	vadd.f32 v2, v6  }
0x59: {  	s6 =	sshll.u32 s1, $0xF;
	[tilespmem:s18+$0xD840] =	vst v3;
	v1 =	vadd.f32 v1, v7  }
0x5a: {  	s6 =	sadd.s32 s8, s6;
	[tilespmem:s18+$0xD850] =	vst v2;
	v0 =	vadd.f32 v0, v10  }
0x5b: {  	s6 =	sshrl.u32 s6, $0x3;
	[tilespmem:s18+$0xD860] =	vst v1  }
0x5c: {  	s6 =	sadd.s32 s2, s6;
	[tilespmem:s18+$0xD870] =	vst v0  }
0x5d: {  	[hbm4b:s6+s5] =	stream.linear.scatter [tilespmem:s17], [sflag:$0x7], $0x4000, $0x38;
	[tilespmem:$0x1D800] =	vst v63  }
0x5e: {  	_ =	swait.ge [sflag:s26], $0x2000  }
0x5f: {  	[sflag:s26] =	ssyncset.done $0x0  }
0x60: {  	[sflag:s26] =	ssyncadd.s32 $0xFFFFE000  }
0x61: {  	_ =	swait.ge [sflag:s28], $0x2000  }
0x62: {  	[sflag:s28] =	ssyncset.done $0x0  }
0x63: {  	[sflag:s28] =	ssyncadd.s32 $0xFFFFE000  }
0x64: {  	_ =	swait.ge [sflag:s29], $0x4000  }
0x65: {  	p1 =	seq.s32 s1, $0x63;
	[sflag:s29] =	ssyncset.done $0x0  }
0x66: {  	s6 =	sshll.u32 @!p1 s1, $0xA;
	[sflag:s29] =	ssyncadd.s32 $0xFFFFC000  }
0x67: {  	s6 =	sadd.s32 @!p1 $0x400, s6;
	_ =	swait.ge [sflag:s30], $0x4000  }
0x68: {  	s19 =	simm.s32 @!p1 $0x80;
	s6 =	sshra.s32 @!p1 s6, $0x2;
	[sflag:s30] =	ssyncset.done $0x0  }
0x69: {  	s7 =	simm.s32 @!p1 $0x15800;
	s18 =	sadd.s32 @!p1 $0x7400, s6;
	[sflag:s30] =	ssyncadd.s32 $0xFFFFC000  }
0x6a: {  	[tilespmem:s7], [sflag:$0x5] =	stream.indirect.gather @!p1 [spmem:s4], $0x80, s18, s19, $0xb8;
	[tilespmem:$0x1D800] =	vst v63  }
0x6b: {  	s7 =	sadd.s32 @!p1 $0x1000, s6;
	s18 =	simm.s32 @!p1 $0x40;
	s19 =	simm.s32 @!p1 $0xD800  }
0x6c: {  	[tilespmem:s19], [sflag:$0x1] =	stream.indirect.gather @!p1 [hbm4b:s0+s18], $0x80, s7, s18, $0xb8;
	[tilespmem:$0x1D800] =	vst v63  }
0x6d: {  	s6 =	sadd.s32 @!p1 $0x1040, s6;
	s7 =	simm.s32 @!p1 $0xF800  }
0x6e: {  	[tilespmem:s7], [sflag:$0x2] =	stream.indirect.gather @!p1 [hbm4b:s0+s18], $0x80, s6, s18, $0xb8;
	[tilespmem:$0x1D800] =	vst v63  }
0x6f: {  	s18 =	simm.s32 $0x0  }
0x70: {  	v7 =	vld [tilespmem:s18+$0x19800]  }
0x71: {  	v11 =	vld [tilespmem:s18+$0x19810]  }
0x72: {  	v5 =	vld [tilespmem:s18+$0x19820]  }
0x73: {  	v4 =	vld [tilespmem:s18+$0x19830]  }
0x74: {  	v3 =	vld [tilespmem:s18+$0x19840]  }
0x75: {  	v2 =	vld [tilespmem:s18+$0x19850]  }
0x76: {  	v1 =	vld [tilespmem:s18+$0x19860]  }
0x77: {  	v0 =	vld [tilespmem:s18+$0x19870]  }
0x78: {  	v12 =	vld [tilespmem:s18+$0x11800]  }
0x79: {  	v13 =	vld [tilespmem:s18+$0x11810]  }
0x7a: {  	v10 =	vld [tilespmem:s18+$0x11820]  }
0x7b: {  	v9 =	vld [tilespmem:s18+$0x11830]  }
0x7c: {  	v8 =	vld [tilespmem:s18+$0x11840]  }
0x7d: {  	v6 =	vld [tilespmem:s18+$0x11850];
	v12 =	vadd.f32 v7, v12  }
0x7e: {  	s19 =	simm.s32 $0x200;
	v11 =	vadd.f32 v11, v13;
	v7 =	vld [tilespmem:s18+$0x11860]  }
.LBB2_5:
0x7f: {  	s6 =	sshra.s32 s19, $0x2;
	p1 =	sne.s32 s19, $0xFE00;
	[tilespmem:s18+$0x11800] =	vst v12;
	v5 =	vadd.f32 v5, v10;
	v10 =	vld [tilespmem:s18+$0x11870]  }
0x80: {  	v12 =	vld [tilespmem:s6+$0x19800];
	[tilespmem:s18+$0x11810] =	vst v11;
	v4 =	vadd.f32 v4, v9  }
0x81: {  	v11 =	vld [tilespmem:s6+$0x19810];
	[tilespmem:s18+$0x11820] =	vst v5;
	v3 =	vadd.f32 v3, v8  }
0x82: {  	v5 =	vld [tilespmem:s6+$0x19820];
	[tilespmem:s18+$0x11830] =	vst v4;
	v2 =	vadd.f32 v2, v6  }
0x83: {  	v4 =	vld [tilespmem:s6+$0x19830];
	[tilespmem:s18+$0x11840] =	vst v3;
	v1 =	vadd.f32 v1, v7  }
0x84: {  	v3 =	vld [tilespmem:s6+$0x19840];
	[tilespmem:s18+$0x11850] =	vst v2;
	v0 =	vadd.f32 v0, v10  }
0x85: {  	v2 =	vld [tilespmem:s6+$0x19850];
	[tilespmem:s18+$0x11860] =	vst v1  }
0x86: {  	v1 =	vld [tilespmem:s6+$0x19860];
	[tilespmem:s18+$0x11870] =	vst v0;
	s18 =	smov.u32 s6  }
0x87: {  	v0 =	vld [tilespmem:s18+$0x19870]  }
0x88: {  	v6 =	vld [tilespmem:s18+$0x11800]  }
0x89: {  	v7 =	vld [tilespmem:s18+$0x11810]  }
.Ltmp1:
0x8a: {  	v10 =	vld [tilespmem:s18+$0x11820];
	(pc) =	sbr.rel @p1 .LBB2_5-.Ltmp1, $4  }
0x8b: {  	v9 =	vld [tilespmem:s18+$0x11830]  }
0x8c: {  	v8 =	vld [tilespmem:s18+$0x11840]  }
0x8d: {  	v12 =	vadd.f32 v12, v6;
	v6 =	vld [tilespmem:s18+$0x11850]  }
0x8e: {  	s19 =	sadd.s32 $0x200, s19;
	v11 =	vadd.f32 v11, v7;
	v7 =	vld [tilespmem:s18+$0x11860]  }
0x8f: {  	[tilespmem:s18+$0x11800] =	vst v12;
	v5 =	vadd.f32 v5, v10;
	v63 =	vld [tilespmem:s18+$0x11870]  }
0x90: {  	[tilespmem:s18+$0x11810] =	vst v11;
	v4 =	vadd.f32 v4, v9  }
0x91: {  	s1 =	sadd.s32 $0x1, s1;
	[tilespmem:s18+$0x11820] =	vst v5;
	v3 =	vadd.f32 v3, v8  }
0x92: {  	p1 =	sne.s32 s1, $0x64;
	[tilespmem:s18+$0x11830] =	vst v4;
	v2 =	vadd.f32 v2, v6  }
.Ltmp2:
0x93: {  	s6 =	sshll.u32 s15, $0xE;
	[tilespmem:s18+$0x11840] =	vst v3;
	v1 =	vadd.f32 v1, v7;
	(pc) =	sbr.rel @p1 .LBB2_2-.Ltmp2, $4  }
0x94: {  	s6 =	sadd.s32 s8, s6;
	[tilespmem:s18+$0x11850] =	vst v2;
	v0 =	vadd.f32 v0, v63  }
0x95: {  	s6 =	sshrl.u32 s6, $0x3;
	[tilespmem:s18+$0x11860] =	vst v1  }
0x96: {  	s6 =	sadd.s32 s2, s6;
	[tilespmem:s18+$0x11870] =	vst v0  }
0x97: {  	[hbm4b:s6+s5] =	stream.linear.scatter [tilespmem:s24], [sflag:$0x8], $0x4000, $0x38;
	[tilespmem:$0x1D800] =	vst v63  }
0x98: {  	s3 =	sadd.s32 $0x1, s3  }
0x99: {  	p1 =	sne.s32 s3, s9  }
.Ltmp3:
0x9a: {  	_ = 	snop;
	(pc) =	sbr.rel @p1 .LBB2_1-.Ltmp3, $4  }
0x9b: {  	_ = 	snop  }
0x9c: {  	_ =	swait.ge [sflag:s31], $0x4000  }
0x9d: {  	[sflag:s31] =	ssyncset.done $0x0  }
0x9e: {  	[sflag:s31] =	ssyncadd.s32 $0xFFFFC000  }
0x9f: {  	_ =	sfence.sel $0x180000  }
0xa0: {  	[bflag:$0x0] =	sbarrier.arrive $0xFFFF  }
0xa1: {  	_ =	strace $0x90000047  }
0xa2: {  	[bflag:$0x2] =	sbarrier.arrive $0xFFFF  }
0xa3: {  	s0 =	rddreg [dreg:$0x5]  }
0xa4: {  	s0 =	sadd.s32 @!p0 $0x100000, s0  }
0xa5: {  	[sflag:s0] =	ssyncadd.tile.s32 @!p0 $0x1;
	_ =	shalt  }
.Lfunc_end2:
_tile_overlayer_lowered:
.L_overlay_start_2:
0xa6: {  	(tag) =	ssettag $0x2  }
0xa7: {  	s0 =	rddreg [dreg:$0x0];
	s2 =	stileid.u32  }
0xa8: {  	s1 =	rddreg [dreg:$0x1];
	p0 =	sne.s32 s2, $0x0  }
0xa9: {  	s3 =	rddreg [dreg:$0x2];
	[bflag:$0x3] =	sbarrier.arrive $0xFFFF;
	s2 =	simm.s32 @!p0 $0x1C09  }
0xaa: {  	[timem:s3], [sflag:s2] =	dma.local @!p0 [hbm:s0], s1  }
0xab: {  	s0 =	simm.s32 @!p0 $0x9  }
0xac: {  	_ =	swait.ge @!p0 [sflag:s0], s1  }
0xad: {  	s1 =	ssub.s32 @!p0 $0x0, s1;
	[sflag:s0] =	ssyncset.done @!p0 $0x0  }
0xae: {  	[sflag:s0] =	ssyncadd.s32 @!p0 s1  }
0xaf: {  	[bflag:$0x3] =	sbarrier.arrive $0xFFFF  }
0xb0: {  	_ =	shalt  }

</sc_bundles>
